<compile_context>
chip_gen: v7x
topology: tpu7x:2x2x1
jax: 0.10.2.dev20260603
libtpu: 0.0.44.dev20260713+nightly
codegen_flags: <defaults>
</compile_context>

<pallas_src>
import functools

import jax
import jax.numpy as jnp
from jax import lax
from jax.experimental import pallas as pl
from jax.experimental.pallas import tpu as pltpu
from jax.experimental.pallas import tpu_sc as plsc

N_NODES = 10000
NPAD = 10112
D = 128
E = 320000
CHUNK = 128
NC, NS = 2, 16
CHUNKS_PER_TILE = 80
EPT = CHUNKS_PER_TILE * CHUNK
EPAD = NC * NS * EPT
NTILES = NC * NS
ROWS_PER_TILE = NPAD // NS

_mesh = functools.partial(
    plsc.VectorSubcoreMesh, core_axis_name="c", subcore_axis_name="s",
    num_cores=NC, num_subcores=NS)


def _sc_degree(rc3, ones16, zeros16):
    @functools.partial(
        pl.kernel,
        out_type=jax.ShapeDtypeStruct((NC * NPAD, 16), jnp.float32),
        mesh=_mesh(),
        compiler_params=pltpu.CompilerParams(use_tc_tiling_on_sc=False),
        scratch_types=dict(
            acc=pltpu.VMEM_SHARED((NPAD, 16), jnp.float32),
            cib=pltpu.VMEM((CHUNKS_PER_TILE, CHUNK), jnp.int32),
            ones_v=pltpu.VMEM((CHUNK, 16), jnp.float32),
            rb=pltpu.VMEM((ROWS_PER_TILE, 16), jnp.float32),
            dsem=pltpu.SemaphoreType.DMA,
        ),
    )
    def deg_kernel(rc_hbm, ones_hbm, zeros_hbm, out_hbm,
                   acc, cib, ones_v, rb, dsem):
        c = lax.axis_index("c")
        s = lax.axis_index("s")
        wid = c * NS + s
        r0 = s * ROWS_PER_TILE
        pltpu.sync_copy(zeros_hbm.at[pl.ds(r0, ROWS_PER_TILE)],
                        acc.at[pl.ds(r0, ROWS_PER_TILE)])
        pltpu.sync_copy(ones_hbm, ones_v)
        pltpu.sync_copy(rc_hbm.at[1, pl.ds(wid * CHUNKS_PER_TILE, CHUNKS_PER_TILE)], cib)
        plsc.subcore_barrier()

        def fire(t, carry):
            pltpu.async_copy(ones_v, acc.at[cib.at[t]], dsem, add=True)
            return carry

        lax.fori_loop(0, CHUNKS_PER_TILE, fire, 0)

        def drain(t, carry):
            pltpu.make_async_copy(ones_v, acc.at[cib.at[0]], dsem).wait()
            return carry

        lax.fori_loop(0, CHUNKS_PER_TILE, drain, 0)
        plsc.subcore_barrier()
        pltpu.sync_copy(acc.at[pl.ds(r0, ROWS_PER_TILE)], rb)
        pltpu.sync_copy(rb, out_hbm.at[pl.ds(c * NPAD + r0, ROWS_PER_TILE)])

    return deg_kernel(rc3, ones16, zeros16)


def _sc_segsum(rc3, y, zeros_rows):
    scratch = dict(acc=pltpu.VMEM_SHARED((NPAD, D), jnp.bfloat16))
    for b in range(4):
        scratch[f"buf{b}"] = pltpu.VMEM((CHUNK, D), jnp.bfloat16)
        scratch[f"gsem{b}"] = pltpu.SemaphoreType.DMA
        scratch[f"ssem{b}"] = pltpu.SemaphoreType.DMA
    for q in range(8):
        scratch[f"rib{q}"] = pltpu.VMEM((CHUNK,), jnp.int32)
        scratch[f"cib{q}"] = pltpu.VMEM((CHUNK,), jnp.int32)
        scratch[f"isem{q}"] = pltpu.SemaphoreType.DMA

    @functools.partial(
        pl.kernel,
        out_type=jax.ShapeDtypeStruct((NC * NPAD, D), jnp.bfloat16),
        mesh=_mesh(),
        compiler_params=pltpu.CompilerParams(use_tc_tiling_on_sc=False),
        scratch_types=scratch,
    )
    def seg_kernel(rc_hbm, y_hbm, zeros_hbm, out_hbm, acc, **sc):
        bufs = [sc[f"buf{b}"] for b in range(4)]
        gsem = [sc[f"gsem{b}"] for b in range(4)]
        ssem = [sc[f"ssem{b}"] for b in range(4)]
        rib = [sc[f"rib{q}"] for q in range(8)]
        cib = [sc[f"cib{q}"] for q in range(8)]
        isem = [sc[f"isem{q}"] for q in range(8)]
        c = lax.axis_index("c")
        s = lax.axis_index("s")
        wid = c * NS + s
        r0 = s * ROWS_PER_TILE
        pltpu.sync_copy(zeros_hbm.at[pl.ds(r0, ROWS_PER_TILE)],
                        acc.at[pl.ds(r0, ROWS_PER_TILE)])
        plsc.subcore_barrier()

        def load_idx(t, q):
            pltpu.async_copy(rc_hbm.at[0, wid * CHUNKS_PER_TILE + t], rib[q], isem[q])
            pltpu.async_copy(rc_hbm.at[1, wid * CHUNKS_PER_TILE + t], cib[q], isem[q])

        def wait_idx(q):
            pltpu.make_async_copy(rc_hbm.at[0, 0], rib[q], isem[q]).wait()
            pltpu.make_async_copy(rc_hbm.at[1, 0], cib[q], isem[q]).wait()

        def wait_gather(b):
            pltpu.make_async_copy(y_hbm.at[rib[0]], bufs[b], gsem[b]).wait()

        def wait_scatter(b):
            pltpu.make_async_copy(bufs[b], acc.at[cib[0]], ssem[b]).wait()

        for q in range(4):
            load_idx(q, q)
        for b in range(3):
            wait_idx(b)
            pltpu.async_copy(y_hbm.at[rib[b]], bufs[b], gsem[b])

        def octet(gg, carry):
            for qq in range(8):
                t = 8 * gg + qq
                b = qq % 4
                b3 = (qq + 3) % 4
                q3, q4 = (qq + 3) % 8, (qq + 4) % 8
                wait_gather(b)
                pltpu.async_copy(bufs[b], acc.at[cib[qq]], ssem[b], add=True)
                @pl.when(t + 4 < CHUNKS_PER_TILE)
                def _():
                    load_idx(t + 4, q4)
                @pl.when(t + 3 < CHUNKS_PER_TILE)
                def _():
                    @pl.when(t >= 1)
                    def _():
                        wait_scatter(b3)
                    wait_idx(q3)
                    pltpu.async_copy(y_hbm.at[rib[q3]], bufs[b3], gsem[b3])
            return carry

        lax.fori_loop(0, CHUNKS_PER_TILE // 8, octet, 0)
        for b in range(4):
            wait_scatter(b)
        plsc.subcore_barrier()
        off = 0
        for size in (128, 128, 128, 128, 120):
            pltpu.sync_copy(acc.at[pl.ds(r0 + off, size)], bufs[0].at[pl.ds(0, size)])
            pltpu.sync_copy(bufs[0].at[pl.ds(0, size)],
                            out_hbm.at[pl.ds(c * NPAD + r0 + off, size)])
            off += size

    return seg_kernel(rc3, y, zeros_rows)


def _tc_scale(deg_both, x):
    def body(dg_ref, x_ref, y_ref):
        deg = (dg_ref[0:N_NODES, 0:1] + dg_ref[NPAD:NPAD + N_NODES, 0:1]) + 2.0
        d = lax.rsqrt(deg)
        y_ref[0:N_NODES, :] = (d * x_ref[...]).astype(jnp.bfloat16)
        y_ref[N_NODES:NPAD, :] = jnp.zeros((NPAD - N_NODES, D), jnp.bfloat16)

    return pl.pallas_call(
        body,
        out_shape=jax.ShapeDtypeStruct((NPAD, D), jnp.bfloat16),
    )(deg_both, x)


def _tc_dense(deg_both, x, s_both, W1, b1, Wp, bp, Wo, bo):
    def body(dg_ref, x_ref, s_ref,
             w1_ref, b1_ref, wp_ref, bp_ref, wo_ref, bo_ref, out_ref):
        deg = (dg_ref[0:N_NODES, 0:1] + dg_ref[NPAD:NPAD + N_NODES, 0:1]) + 2.0
        d = lax.rsqrt(deg)
        x = x_ref[...]
        ssum = (s_ref[0:N_NODES, :].astype(jnp.float32)
                + s_ref[NPAD:NPAD + N_NODES, :].astype(jnp.float32))
        agg = d * ssum + (2.0 * d * d) * x
        h = jnp.dot(agg, w1_ref[...], preferred_element_type=jnp.float32)
        h += jnp.dot(x, wp_ref[...], preferred_element_type=jnp.float32)
        h += b1_ref[...] + bp_ref[...]
        h = jnp.maximum(h, 0.0)
        out_ref[...] = jnp.sum(h * wo_ref[...].reshape(1, D), axis=1) + bo_ref[0]

    return pl.pallas_call(
        body,
        out_shape=jax.ShapeDtypeStruct((N_NODES,), jnp.float32),
    )(deg_both, x, s_both, W1, b1.reshape(1, D), Wp, bp.reshape(1, D),
      Wo.reshape(D), bo)


def kernel(x, edge_index, W1, b1, Wp, bp, Wo, bo):
    npad_e = EPAD - E
    pad_idx = N_NODES + (jnp.arange(npad_e, dtype=jnp.int32) % (NPAD - N_NODES))
    rc3 = jnp.concatenate(
        [edge_index.astype(jnp.int32),
         jnp.broadcast_to(pad_idx, (2, npad_e))], axis=1,
    ).reshape(2, NTILES * CHUNKS_PER_TILE, CHUNK)

    ones16 = jnp.ones((CHUNK, 16), jnp.float32)
    zeros16 = jnp.zeros((NPAD, 16), jnp.float32)
    zeros_rows = jnp.zeros((NPAD, D), jnp.bfloat16)

    deg_both = _sc_degree(rc3, ones16, zeros16)
    y = _tc_scale(deg_both, x)
    s_both = _sc_segsum(rc3, y, zeros_rows)
    return _tc_dense(deg_both, x, s_both, W1, b1, Wp, bp, Wo, bo)

# --- scband reference (transcript-rebuilt; emitter-appended) ---
"""Pipeline reference for scband-graph-neural-network-63393717289295 (READ-ONLY COPY).

The authoritative reference and input builder live on the scoring server;
editing this copy changes nothing except your own understanding.
"""

import jax, jax.numpy as jnp
import numpy as np

N_NODES = 10000
N_EDGES = 320000
D_IN = 128
D_HID2 = 128  # hidden_dim * 2
D_OUT = 1


def add_self_loops(edge_index, num_nodes):
    loops = jnp.arange(num_nodes, dtype=edge_index.dtype)
    sl = jnp.stack([loops, loops], axis=0)
    return jnp.concatenate([edge_index, sl], axis=1)


def setup_inputs(seed: int = 0) -> dict:
    key = jax.random.key(seed)
    ks = jax.random.split(key, 8)
    x = jax.random.normal(ks[0], (N_NODES, D_IN), dtype=jnp.float32)
    edge_index = jax.random.randint(ks[1], (2, N_EDGES), 0, N_NODES, dtype=jnp.int64)
    # GCNConv weight/bias (glorot-ish init)
    W1 = jax.random.normal(ks[2], (D_IN, D_HID2), dtype=jnp.float32) * (1.0 / np.sqrt(D_IN))
    b1 = jnp.zeros((D_HID2,), dtype=jnp.float32)
    # projection Linear
    Wp = jax.random.normal(ks[3], (D_IN, D_HID2), dtype=jnp.float32) * (1.0 / np.sqrt(D_IN))
    bp = jax.random.normal(ks[4], (D_HID2,), dtype=jnp.float32) * 0.01
    # output Linear
    Wo = jax.random.normal(ks[5], (D_HID2, D_OUT), dtype=jnp.float32) * (1.0 / np.sqrt(D_HID2))
    bo = jax.random.normal(ks[6], (D_OUT,), dtype=jnp.float32) * 0.01
    return {"x": x, "edge_index": edge_index, "W1": W1, "b1": b1, "Wp": Wp, "bp": bp, "Wo": Wo, "bo": bo}


def gcn_conv(x, edge_index, W, b, num_nodes):
    # PyG GCNConv with default add_self_loops=True and symmetric gcn_norm
    ei = add_self_loops(edge_index, num_nodes)
    row, col = ei[0], ei[1]
    ones = jnp.ones((ei.shape[1],), dtype=x.dtype)
    deg = jax.ops.segment_sum(ones, col, num_segments=num_nodes)
    deg_inv_sqrt = jnp.where(deg > 0, deg ** -0.5, 0.0)
    norm = deg_inv_sqrt[row] * deg_inv_sqrt[col]
    xw = x @ W
    msg = xw[row] * norm[:, None]
    out = jax.ops.segment_sum(msg, col, num_segments=num_nodes)
    return out + b


def reference(x, edge_index, W1, b1, Wp, bp, Wo, bo):
    n = x.shape[0]
    # forward() explicitly adds self loops before conv1
    ei = add_self_loops(edge_index, n)
    conv_output = gcn_conv(x, ei, W1, b1, n)
    projected_input = x @ Wp + bp
    combined = jax.nn.relu(conv_output + projected_input)
    output = combined @ Wo + bo
    return jnp.squeeze(output)

if __name__ == "__main__":
    import jax
    _d = setup_inputs()
    print(jax.jit(kernel)(*tuple(_d.values())))

</pallas_src>

<mosaic_0001>
#map = affine_map<(d0, d1) -> (0, 0, 0)>
#map1 = affine_map<(d0, d1) -> (0, 0)>
module attributes {stable_mosaic.version = 14 : i64} {
  func.func @deg_kernel(%arg0: i32, %arg1: i32, %arg2: memref<2x2560x128xi32, #tpu.memory_space<hbm>>, %arg3: memref<128x16xf32, #tpu.memory_space<hbm>>, %arg4: memref<10112x16xf32, #tpu.memory_space<hbm>>, %arg5: memref<20224x16xf32, #tpu.memory_space<hbm>>, %arg6: memref<10112x16xf32, #tpu.memory_space<vmem_shared>>, %arg7: memref<80x128xi32, #tpu.memory_space<vmem>>, %arg8: memref<!tpu.dma_semaphore, #tpu.memory_space<semaphore_mem>>, %arg9: memref<128x16xf32, #tpu.memory_space<vmem>>, %arg10: memref<632x16xf32, #tpu.memory_space<vmem>>) attributes {dimension_semantics = [#tpu.dimension_semantics<core_parallel>, #tpu.dimension_semantics<subcore_parallel>], iteration_bounds = array<i64: 2, 16>, scalar_prefetch = 0 : i64, scratch_operands = 5 : i64, tpu.core_type = #tpu.core_type<sc_vector_subcore>, window_params = [{transform_indices = #map}, {transform_indices = #map1}, {transform_indices = #map1}, {transform_indices = #map1}]} {
    %mul3A = arith.constant 16 : i32
    %mul3A_0 = arith.muli %arg0, %mul3A : i32
    %add3A = arith.addi %mul3A_0, %arg1 : i32
    %mul3A_1 = arith.constant 632 : i32
    %mul3A_2 = arith.muli %arg1, %mul3A_1 : i32
    "tpu.region"() ({
      %run_scoped3A_20 = tpu.sem_alloc : memref<!tpu.dma_semaphore, #tpu.memory_space<semaphore_mem>>
      %dma_start3A = arith.constant 0 : i32
      %dma_start3A_21 = tpu.memref_slice %arg6[%mul3A_2, %dma_start3A] : memref<10112x16xf32, #tpu.memory_space<vmem_shared>> -> memref<632x16xf32, #tpu.memory_space<vmem_shared>>
      %dma_start3A_22 = arith.constant 0 : i32
      %dma_start3A_23 = tpu.memref_slice %arg4[%mul3A_2, %dma_start3A_22] : memref<10112x16xf32, #tpu.memory_space<hbm>> -> memref<632x16xf32, #tpu.memory_space<hbm>>
      tpu.enqueue_dma source(%dma_start3A_23 : memref<632x16xf32, #tpu.memory_space<hbm>>) target(%dma_start3A_21 : memref<632x16xf32, #tpu.memory_space<vmem_shared>>) target_semaphore(%run_scoped3A_20 : memref<!tpu.dma_semaphore, #tpu.memory_space<semaphore_mem>>)
      %dma_wait3A = arith.constant 0 : i32
      %dma_wait3A_24 = tpu.memref_slice %arg6[%mul3A_2, %dma_wait3A] : memref<10112x16xf32, #tpu.memory_space<vmem_shared>> -> memref<632x16xf32, #tpu.memory_space<vmem_shared>>
      %dma_wait3A_25 = arith.constant 0 : i32
      %dma_wait3A_26 = tpu.memref_slice %arg4[%mul3A_2, %dma_wait3A_25] : memref<10112x16xf32, #tpu.memory_space<hbm>> -> memref<632x16xf32, #tpu.memory_space<hbm>>
      tpu.wait_dma2 semaphore(%run_scoped3A_20 : memref<!tpu.dma_semaphore, #tpu.memory_space<semaphore_mem>>) src(%dma_wait3A_26 : memref<632x16xf32, #tpu.memory_space<hbm>>) dst(%dma_wait3A_24 : memref<632x16xf32, #tpu.memory_space<vmem_shared>>)
      tpu.yield
    }) : () -> ()
    "tpu.region"() ({
      %run_scoped3A_20 = tpu.sem_alloc : memref<!tpu.dma_semaphore, #tpu.memory_space<semaphore_mem>>
      tpu.enqueue_dma source(%arg3 : memref<128x16xf32, #tpu.memory_space<hbm>>) target(%arg9 : memref<128x16xf32, #tpu.memory_space<vmem>>) target_semaphore(%run_scoped3A_20 : memref<!tpu.dma_semaphore, #tpu.memory_space<semaphore_mem>>)
      tpu.wait_dma2 semaphore(%run_scoped3A_20 : memref<!tpu.dma_semaphore, #tpu.memory_space<semaphore_mem>>) src(%arg3 : memref<128x16xf32, #tpu.memory_space<hbm>>) dst(%arg9 : memref<128x16xf32, #tpu.memory_space<vmem>>)
      tpu.yield
    }) : () -> ()
    %mul3A_3 = arith.constant 80 : i32
    %mul3A_4 = arith.muli %add3A, %mul3A_3 : i32
    %run_scoped3A = arith.constant 1 : i32
    "tpu.region"() ({
      %run_scoped3A_20 = tpu.sem_alloc : memref<!tpu.dma_semaphore, #tpu.memory_space<semaphore_mem>>
      %dma_start3A = arith.constant 0 : i32
      %dma_start3A_21 = tpu.memref_slice %arg2[%run_scoped3A, %mul3A_4, %dma_start3A] : memref<2x2560x128xi32, #tpu.memory_space<hbm>> -> memref<1x80x128xi32, #tpu.memory_space<hbm>>
      %dma_start3A_22 = tpu.memref_squeeze %dma_start3A_21 : memref<1x80x128xi32, #tpu.memory_space<hbm>> -> memref<80x128xi32, #tpu.memory_space<hbm>>
      %dma_start3A_23 = arith.constant 0 : i32
      %dma_start3A_24 = tpu.memref_slice %arg2[%run_scoped3A, %mul3A_4, %dma_start3A_23] : memref<2x2560x128xi32, #tpu.memory_space<hbm>> -> memref<1x80x128xi32, #tpu.memory_space<hbm>>
      %dma_start3A_25 = tpu.memref_squeeze %dma_start3A_24 : memref<1x80x128xi32, #tpu.memory_space<hbm>> -> memref<80x128xi32, #tpu.memory_space<hbm>>
      tpu.enqueue_dma source(%dma_start3A_25 : memref<80x128xi32, #tpu.memory_space<hbm>>) target(%arg7 : memref<80x128xi32, #tpu.memory_space<vmem>>) target_semaphore(%run_scoped3A_20 : memref<!tpu.dma_semaphore, #tpu.memory_space<semaphore_mem>>)
      %dma_wait3A = arith.constant 0 : i32
      %dma_wait3A_26 = tpu.memref_slice %arg2[%run_scoped3A, %mul3A_4, %dma_wait3A] : memref<2x2560x128xi32, #tpu.memory_space<hbm>> -> memref<1x80x128xi32, #tpu.memory_space<hbm>>
      %dma_wait3A_27 = tpu.memref_squeeze %dma_wait3A_26 : memref<1x80x128xi32, #tpu.memory_space<hbm>> -> memref<80x128xi32, #tpu.memory_space<hbm>>
      %dma_wait3A_28 = arith.constant 0 : i32
      %dma_wait3A_29 = tpu.memref_slice %arg2[%run_scoped3A, %mul3A_4, %dma_wait3A_28] : memref<2x2560x128xi32, #tpu.memory_space<hbm>> -> memref<1x80x128xi32, #tpu.memory_space<hbm>>
      %dma_wait3A_30 = tpu.memref_squeeze %dma_wait3A_29 : memref<1x80x128xi32, #tpu.memory_space<hbm>> -> memref<80x128xi32, #tpu.memory_space<hbm>>
      tpu.wait_dma2 semaphore(%run_scoped3A_20 : memref<!tpu.dma_semaphore, #tpu.memory_space<semaphore_mem>>) src(%dma_wait3A_30 : memref<80x128xi32, #tpu.memory_space<hbm>>) dst(%arg7 : memref<80x128xi32, #tpu.memory_space<vmem>>)
      tpu.yield
    }) : () -> ()
    %barrier3A = arith.constant 0 : index
    tpu.barrier barrier_id(%barrier3A)
    %scan3A = arith.constant 0 : i32
    %scan3A_5 = arith.constant 0 : i32
    %scan3A_6 = arith.constant 80 : i32
    %scan3A_7 = arith.addi %scan3A_5, %scan3A_6 : i32
    %scan3A_8 = arith.constant 1 : i32
    scf.for %scan3A_20 = %scan3A_5 to %scan3A_7 step %scan3A_8  : i32 {
      %dma_start3A = arith.constant 0 : i32
      %dma_start3A_21 = tpu.memref_slice %arg7[%scan3A_20, %dma_start3A] : memref<80x128xi32, #tpu.memory_space<vmem>> -> memref<1x128xi32, #tpu.memory_space<vmem>>
      %dma_start3A_22 = tpu.memref_squeeze %dma_start3A_21 : memref<1x128xi32, #tpu.memory_space<vmem>> -> memref<128xi32, #tpu.memory_space<vmem>>
      %dma_start3A_23 = arith.constant 0 : i32
      %dma_start3A_24 = arith.constant 0 : i32
      %dma_start3A_25 = tpu.memref_slice %arg6[%dma_start3A_23, %dma_start3A_24] : memref<10112x16xf32, #tpu.memory_space<vmem_shared>> -> memref<10112x16xf32, #tpu.memory_space<vmem_shared>>
      tpu.enqueue_indirect_dma source(%arg9 : memref<128x16xf32, #tpu.memory_space<vmem>>) target(%dma_start3A_25 : memref<10112x16xf32, #tpu.memory_space<vmem_shared>>) offsets(%dma_start3A_22 : memref<128xi32, #tpu.memory_space<vmem>>) semaphore(%arg8 : memref<!tpu.dma_semaphore, #tpu.memory_space<semaphore_mem>>) {add = true}
    }
    %scan3A_9 = arith.constant 80 : i32
    %scan3A_10 = arith.constant 0 : i32
    %scan3A_11 = arith.constant 0 : i32
    %scan3A_12 = arith.constant 80 : i32
    %scan3A_13 = arith.addi %scan3A_11, %scan3A_12 : i32
    %scan3A_14 = arith.constant 1 : i32
    scf.for %scan3A_20 = %scan3A_11 to %scan3A_13 step %scan3A_14  : i32 {
      %dma_wait3A = arith.constant 0 : i32
      %dma_wait3A_21 = arith.constant 0 : i32
      %dma_wait3A_22 = tpu.memref_slice %arg7[%dma_wait3A, %dma_wait3A_21] : memref<80x128xi32, #tpu.memory_space<vmem>> -> memref<1x128xi32, #tpu.memory_space<vmem>>
      %dma_wait3A_23 = tpu.memref_squeeze %dma_wait3A_22 : memref<1x128xi32, #tpu.memory_space<vmem>> -> memref<128xi32, #tpu.memory_space<vmem>>
      %dma_wait3A_24 = arith.constant 0 : i32
      %dma_wait3A_25 = arith.constant 0 : i32
      %dma_wait3A_26 = tpu.memref_slice %arg6[%dma_wait3A_24, %dma_wait3A_25] : memref<10112x16xf32, #tpu.memory_space<vmem_shared>> -> memref<10112x16xf32, #tpu.memory_space<vmem_shared>>
      tpu.wait_indirect_dma semaphore(%arg8 : memref<!tpu.dma_semaphore, #tpu.memory_space<semaphore_mem>>) src(%arg9 : memref<128x16xf32, #tpu.memory_space<vmem>>) dst(%dma_wait3A_26 : memref<10112x16xf32, #tpu.memory_space<vmem_shared>>)
    }
    %scan3A_15 = arith.constant 80 : i32
    %barrier3A_16 = arith.constant 0 : index
    tpu.barrier barrier_id(%barrier3A_16)
    "tpu.region"() ({
      %run_scoped3A_20 = tpu.sem_alloc : memref<!tpu.dma_semaphore, #tpu.memory_space<semaphore_mem>>
      %dma_start3A = arith.constant 0 : i32
      %dma_start3A_21 = tpu.memref_slice %arg6[%mul3A_2, %dma_start3A] : memref<10112x16xf32, #tpu.memory_space<vmem_shared>> -> memref<632x16xf32, #tpu.memory_space<vmem_shared>>
      %dma_start3A_22 = arith.constant 0 : i32
      %dma_start3A_23 = tpu.memref_slice %arg6[%mul3A_2, %dma_start3A_22] : memref<10112x16xf32, #tpu.memory_space<vmem_shared>> -> memref<632x16xf32, #tpu.memory_space<vmem_shared>>
      tpu.enqueue_dma source(%dma_start3A_23 : memref<632x16xf32, #tpu.memory_space<vmem_shared>>) target(%arg10 : memref<632x16xf32, #tpu.memory_space<vmem>>) target_semaphore(%run_scoped3A_20 : memref<!tpu.dma_semaphore, #tpu.memory_space<semaphore_mem>>)
      %dma_wait3A = arith.constant 0 : i32
      %dma_wait3A_24 = tpu.memref_slice %arg6[%mul3A_2, %dma_wait3A] : memref<10112x16xf32, #tpu.memory_space<vmem_shared>> -> memref<632x16xf32, #tpu.memory_space<vmem_shared>>
      %dma_wait3A_25 = arith.constant 0 : i32
      %dma_wait3A_26 = tpu.memref_slice %arg6[%mul3A_2, %dma_wait3A_25] : memref<10112x16xf32, #tpu.memory_space<vmem_shared>> -> memref<632x16xf32, #tpu.memory_space<vmem_shared>>
      tpu.wait_dma2 semaphore(%run_scoped3A_20 : memref<!tpu.dma_semaphore, #tpu.memory_space<semaphore_mem>>) src(%dma_wait3A_26 : memref<632x16xf32, #tpu.memory_space<vmem_shared>>) dst(%arg10 : memref<632x16xf32, #tpu.memory_space<vmem>>)
      tpu.yield
    }) : () -> ()
    %mul3A_17 = arith.constant 10112 : i32
    %mul3A_18 = arith.muli %arg0, %mul3A_17 : i32
    %add3A_19 = arith.addi %mul3A_18, %mul3A_2 : i32
    "tpu.region"() ({
      %run_scoped3A_20 = tpu.sem_alloc : memref<!tpu.dma_semaphore, #tpu.memory_space<semaphore_mem>>
      %dma_start3A = arith.constant 0 : i32
      %dma_start3A_21 = tpu.memref_slice %arg5[%add3A_19, %dma_start3A] : memref<20224x16xf32, #tpu.memory_space<hbm>> -> memref<632x16xf32, #tpu.memory_space<hbm>>
      %dma_start3A_22 = arith.constant 0 : i32
      %dma_start3A_23 = tpu.memref_slice %arg5[%add3A_19, %dma_start3A_22] : memref<20224x16xf32, #tpu.memory_space<hbm>> -> memref<632x16xf32, #tpu.memory_space<hbm>>
      tpu.enqueue_dma source(%arg10 : memref<632x16xf32, #tpu.memory_space<vmem>>) target(%dma_start3A_23 : memref<632x16xf32, #tpu.memory_space<hbm>>) target_semaphore(%run_scoped3A_20 : memref<!tpu.dma_semaphore, #tpu.memory_space<semaphore_mem>>)
      %dma_wait3A = arith.constant 0 : i32
      %dma_wait3A_24 = tpu.memref_slice %arg5[%add3A_19, %dma_wait3A] : memref<20224x16xf32, #tpu.memory_space<hbm>> -> memref<632x16xf32, #tpu.memory_space<hbm>>
      %dma_wait3A_25 = arith.constant 0 : i32
      %dma_wait3A_26 = tpu.memref_slice %arg5[%add3A_19, %dma_wait3A_25] : memref<20224x16xf32, #tpu.memory_space<hbm>> -> memref<632x16xf32, #tpu.memory_space<hbm>>
      tpu.wait_dma2 semaphore(%run_scoped3A_20 : memref<!tpu.dma_semaphore, #tpu.memory_space<semaphore_mem>>) src(%arg10 : memref<632x16xf32, #tpu.memory_space<vmem>>) dst(%dma_wait3A_26 : memref<632x16xf32, #tpu.memory_space<hbm>>)
      tpu.yield
    }) : () -> ()
    return
  }
}

#map = affine_map<(d0, d1) -> (0, 0, 0)>
#map1 = affine_map<(d0, d1) -> (0, 0)>
module attributes {stable_mosaic.version = 14 : i64} {
  func.func @seg_kernel(%arg0: i32, %arg1: i32, %arg2: memref<2x2560x128xi32, #tpu.memory_space<hbm>>, %arg3: memref<10112x128xbf16, #tpu.memory_space<hbm>>, %arg4: memref<10112x128xbf16, #tpu.memory_space<hbm>>, %arg5: memref<20224x128xbf16, #tpu.memory_space<hbm>>, %arg6: memref<10112x128xbf16, #tpu.memory_space<vmem_shared>>, %arg7: memref<128x128xbf16, #tpu.memory_space<vmem>>, %arg8: memref<128x128xbf16, #tpu.memory_space<vmem>>, %arg9: memref<128x128xbf16, #tpu.memory_space<vmem>>, %arg10: memref<128x128xbf16, #tpu.memory_space<vmem>>, %arg11: memref<128xi32, #tpu.memory_space<vmem>>, %arg12: memref<128xi32, #tpu.memory_space<vmem>>, %arg13: memref<128xi32, #tpu.memory_space<vmem>>, %arg14: memref<128xi32, #tpu.memory_space<vmem>>, %arg15: memref<128xi32, #tpu.memory_space<vmem>>, %arg16: memref<128xi32, #tpu.memory_space<vmem>>, %arg17: memref<128xi32, #tpu.memory_space<vmem>>, %arg18: memref<128xi32, #tpu.memory_space<vmem>>, %arg19: memref<!tpu.dma_semaphore, #tpu.memory_space<semaphore_mem>>, %arg20: memref<!tpu.dma_semaphore, #tpu.memory_space<semaphore_mem>>, %arg21: memref<!tpu.dma_semaphore, #tpu.memory_space<semaphore_mem>>, %arg22: memref<!tpu.dma_semaphore, #tpu.memory_space<semaphore_mem>>, %arg23: memref<!tpu.dma_semaphore, #tpu.memory_space<semaphore_mem>>, %arg24: memref<!tpu.dma_semaphore, #tpu.memory_space<semaphore_mem>>, %arg25: memref<!tpu.dma_semaphore, #tpu.memory_space<semaphore_mem>>, %arg26: memref<!tpu.dma_semaphore, #tpu.memory_space<semaphore_mem>>, %arg27: memref<!tpu.dma_semaphore, #tpu.memory_space<semaphore_mem>>, %arg28: memref<!tpu.dma_semaphore, #tpu.memory_space<semaphore_mem>>, %arg29: memref<!tpu.dma_semaphore, #tpu.memory_space<semaphore_mem>>, %arg30: memref<!tpu.dma_semaphore, #tpu.memory_space<semaphore_mem>>, %arg31: memref<128xi32, #tpu.memory_space<vmem>>, %arg32: memref<128xi32, #tpu.memory_space<vmem>>, %arg33: memref<128xi32, #tpu.memory_space<vmem>>, %arg34: memref<128xi32, #tpu.memory_space<vmem>>, %arg35: memref<128xi32, #tpu.memory_space<vmem>>, %arg36: memref<128xi32, #tpu.memory_space<vmem>>, %arg37: memref<128xi32, #tpu.memory_space<vmem>>, %arg38: memref<128xi32, #tpu.memory_space<vmem>>, %arg39: memref<!tpu.dma_semaphore, #tpu.memory_space<semaphore_mem>>, %arg40: memref<!tpu.dma_semaphore, #tpu.memory_space<semaphore_mem>>, %arg41: memref<!tpu.dma_semaphore, #tpu.memory_space<semaphore_mem>>, %arg42: memref<!tpu.dma_semaphore, #tpu.memory_space<semaphore_mem>>) attributes {dimension_semantics = [#tpu.dimension_semantics<core_parallel>, #tpu.dimension_semantics<subcore_parallel>], iteration_bounds = array<i64: 2, 16>, scalar_prefetch = 0 : i64, scratch_operands = 37 : i64, tpu.core_type = #tpu.core_type<sc_vector_subcore>, window_params = [{transform_indices = #map}, {transform_indices = #map1}, {transform_indices = #map1}, {transform_indices = #map1}]} {
    %mul3A = arith.constant 16 : i32
    %mul3A_0 = arith.muli %arg0, %mul3A : i32
    %add3A = arith.addi %mul3A_0, %arg1 : i32
    %mul3A_1 = arith.constant 632 : i32
    %mul3A_2 = arith.muli %arg1, %mul3A_1 : i32
    "tpu.region"() ({
      %run_scoped3A = tpu.sem_alloc : memref<!tpu.dma_semaphore, #tpu.memory_space<semaphore_mem>>
      %dma_start3A_199 = arith.constant 0 : i32
      %dma_start3A_200 = tpu.memref_slice %arg6[%mul3A_2, %dma_start3A_199] : memref<10112x128xbf16, #tpu.memory_space<vmem_shared>> -> memref<632x128xbf16, #tpu.memory_space<vmem_shared>>
      %dma_start3A_201 = arith.constant 0 : i32
      %dma_start3A_202 = tpu.memref_slice %arg4[%mul3A_2, %dma_start3A_201] : memref<10112x128xbf16, #tpu.memory_space<hbm>> -> memref<632x128xbf16, #tpu.memory_space<hbm>>
      tpu.enqueue_dma source(%dma_start3A_202 : memref<632x128xbf16, #tpu.memory_space<hbm>>) target(%dma_start3A_200 : memref<632x128xbf16, #tpu.memory_space<vmem_shared>>) target_semaphore(%run_scoped3A : memref<!tpu.dma_semaphore, #tpu.memory_space<semaphore_mem>>)
      %dma_wait3A_203 = arith.constant 0 : i32
      %dma_wait3A_204 = tpu.memref_slice %arg6[%mul3A_2, %dma_wait3A_203] : memref<10112x128xbf16, #tpu.memory_space<vmem_shared>> -> memref<632x128xbf16, #tpu.memory_space<vmem_shared>>
      %dma_wait3A_205 = arith.constant 0 : i32
      %dma_wait3A_206 = tpu.memref_slice %arg4[%mul3A_2, %dma_wait3A_205] : memref<10112x128xbf16, #tpu.memory_space<hbm>> -> memref<632x128xbf16, #tpu.memory_space<hbm>>
      tpu.wait_dma2 semaphore(%run_scoped3A : memref<!tpu.dma_semaphore, #tpu.memory_space<semaphore_mem>>) src(%dma_wait3A_206 : memref<632x128xbf16, #tpu.memory_space<hbm>>) dst(%dma_wait3A_204 : memref<632x128xbf16, #tpu.memory_space<vmem_shared>>)
      tpu.yield
    }) : () -> ()
    %barrier3A = arith.constant 0 : index
    tpu.barrier barrier_id(%barrier3A)
    %mul3A_3 = arith.constant 80 : i32
    %mul3A_4 = arith.muli %add3A, %mul3A_3 : i32
    %add3A_5 = arith.constant 0 : i32
    %add3A_6 = arith.addi %mul3A_4, %add3A_5 : i32
    %dma_start3A = arith.constant 0 : i32
    %dma_start3A_7 = arith.constant 0 : i32
    %dma_start3A_8 = tpu.memref_slice %arg2[%dma_start3A, %add3A_6, %dma_start3A_7] : memref<2x2560x128xi32, #tpu.memory_space<hbm>> -> memref<1x1x128xi32, #tpu.memory_space<hbm>>
    %dma_start3A_9 = tpu.memref_squeeze %dma_start3A_8 : memref<1x1x128xi32, #tpu.memory_space<hbm>> -> memref<128xi32, #tpu.memory_space<hbm>>
    %dma_start3A_10 = arith.constant 0 : i32
    %dma_start3A_11 = tpu.memref_slice %arg2[%dma_start3A, %add3A_6, %dma_start3A_10] : memref<2x2560x128xi32, #tpu.memory_space<hbm>> -> memref<1x1x128xi32, #tpu.memory_space<hbm>>
    %dma_start3A_12 = tpu.memref_squeeze %dma_start3A_11 : memref<1x1x128xi32, #tpu.memory_space<hbm>> -> memref<128xi32, #tpu.memory_space<hbm>>
    tpu.enqueue_dma source(%dma_start3A_12 : memref<128xi32, #tpu.memory_space<hbm>>) target(%arg31 : memref<128xi32, #tpu.memory_space<vmem>>) target_semaphore(%arg23 : memref<!tpu.dma_semaphore, #tpu.memory_space<semaphore_mem>>)
    %mul3A_13 = arith.constant 80 : i32
    %mul3A_14 = arith.muli %add3A, %mul3A_13 : i32
    %add3A_15 = arith.constant 0 : i32
    %add3A_16 = arith.addi %mul3A_14, %add3A_15 : i32
    %dma_start3A_17 = arith.constant 1 : i32
    %dma_start3A_18 = arith.constant 0 : i32
    %dma_start3A_19 = tpu.memref_slice %arg2[%dma_start3A_17, %add3A_16, %dma_start3A_18] : memref<2x2560x128xi32, #tpu.memory_space<hbm>> -> memref<1x1x128xi32, #tpu.memory_space<hbm>>
    %dma_start3A_20 = tpu.memref_squeeze %dma_start3A_19 : memref<1x1x128xi32, #tpu.memory_space<hbm>> -> memref<128xi32, #tpu.memory_space<hbm>>
    %dma_start3A_21 = arith.constant 0 : i32
    %dma_start3A_22 = tpu.memref_slice %arg2[%dma_start3A_17, %add3A_16, %dma_start3A_21] : memref<2x2560x128xi32, #tpu.memory_space<hbm>> -> memref<1x1x128xi32, #tpu.memory_space<hbm>>
    %dma_start3A_23 = tpu.memref_squeeze %dma_start3A_22 : memref<1x1x128xi32, #tpu.memory_space<hbm>> -> memref<128xi32, #tpu.memory_space<hbm>>
    tpu.enqueue_dma source(%dma_start3A_23 : memref<128xi32, #tpu.memory_space<hbm>>) target(%arg11 : memref<128xi32, #tpu.memory_space<vmem>>) target_semaphore(%arg23 : memref<!tpu.dma_semaphore, #tpu.memory_space<semaphore_mem>>)
    %mul3A_24 = arith.constant 80 : i32
    %mul3A_25 = arith.muli %add3A, %mul3A_24 : i32
    %add3A_26 = arith.constant 1 : i32
    %add3A_27 = arith.addi %mul3A_25, %add3A_26 : i32
    %dma_start3A_28 = arith.constant 0 : i32
    %dma_start3A_29 = arith.constant 0 : i32
    %dma_start3A_30 = tpu.memref_slice %arg2[%dma_start3A_28, %add3A_27, %dma_start3A_29] : memref<2x2560x128xi32, #tpu.memory_space<hbm>> -> memref<1x1x128xi32, #tpu.memory_space<hbm>>
    %dma_start3A_31 = tpu.memref_squeeze %dma_start3A_30 : memref<1x1x128xi32, #tpu.memory_space<hbm>> -> memref<128xi32, #tpu.memory_space<hbm>>
    %dma_start3A_32 = arith.constant 0 : i32
    %dma_start3A_33 = tpu.memref_slice %arg2[%dma_start3A_28, %add3A_27, %dma_start3A_32] : memref<2x2560x128xi32, #tpu.memory_space<hbm>> -> memref<1x1x128xi32, #tpu.memory_space<hbm>>
    %dma_start3A_34 = tpu.memref_squeeze %dma_start3A_33 : memref<1x1x128xi32, #tpu.memory_space<hbm>> -> memref<128xi32, #tpu.memory_space<hbm>>
    tpu.enqueue_dma source(%dma_start3A_34 : memref<128xi32, #tpu.memory_space<hbm>>) target(%arg32 : memref<128xi32, #tpu.memory_space<vmem>>) target_semaphore(%arg24 : memref<!tpu.dma_semaphore, #tpu.memory_space<semaphore_mem>>)
    %mul3A_35 = arith.constant 80 : i32
    %mul3A_36 = arith.muli %add3A, %mul3A_35 : i32
    %add3A_37 = arith.constant 1 : i32
    %add3A_38 = arith.addi %mul3A_36, %add3A_37 : i32
    %dma_start3A_39 = arith.constant 1 : i32
    %dma_start3A_40 = arith.constant 0 : i32
    %dma_start3A_41 = tpu.memref_slice %arg2[%dma_start3A_39, %add3A_38, %dma_start3A_40] : memref<2x2560x128xi32, #tpu.memory_space<hbm>> -> memref<1x1x128xi32, #tpu.memory_space<hbm>>
    %dma_start3A_42 = tpu.memref_squeeze %dma_start3A_41 : memref<1x1x128xi32, #tpu.memory_space<hbm>> -> memref<128xi32, #tpu.memory_space<hbm>>
    %dma_start3A_43 = arith.constant 0 : i32
    %dma_start3A_44 = tpu.memref_slice %arg2[%dma_start3A_39, %add3A_38, %dma_start3A_43] : memref<2x2560x128xi32, #tpu.memory_space<hbm>> -> memref<1x1x128xi32, #tpu.memory_space<hbm>>
    %dma_start3A_45 = tpu.memref_squeeze %dma_start3A_44 : memref<1x1x128xi32, #tpu.memory_space<hbm>> -> memref<128xi32, #tpu.memory_space<hbm>>
    tpu.enqueue_dma source(%dma_start3A_45 : memref<128xi32, #tpu.memory_space<hbm>>) target(%arg12 : memref<128xi32, #tpu.memory_space<vmem>>) target_semaphore(%arg24 : memref<!tpu.dma_semaphore, #tpu.memory_space<semaphore_mem>>)
    %mul3A_46 = arith.constant 80 : i32
    %mul3A_47 = arith.muli %add3A, %mul3A_46 : i32
    %add3A_48 = arith.constant 2 : i32
    %add3A_49 = arith.addi %mul3A_47, %add3A_48 : i32
    %dma_start3A_50 = arith.constant 0 : i32
    %dma_start3A_51 = arith.constant 0 : i32
    %dma_start3A_52 = tpu.memref_slice %arg2[%dma_start3A_50, %add3A_49, %dma_start3A_51] : memref<2x2560x128xi32, #tpu.memory_space<hbm>> -> memref<1x1x128xi32, #tpu.memory_space<hbm>>
    %dma_start3A_53 = tpu.memref_squeeze %dma_start3A_52 : memref<1x1x128xi32, #tpu.memory_space<hbm>> -> memref<128xi32, #tpu.memory_space<hbm>>
    %dma_start3A_54 = arith.constant 0 : i32
    %dma_start3A_55 = tpu.memref_slice %arg2[%dma_start3A_50, %add3A_49, %dma_start3A_54] : memref<2x2560x128xi32, #tpu.memory_space<hbm>> -> memref<1x1x128xi32, #tpu.memory_space<hbm>>
    %dma_start3A_56 = tpu.memref_squeeze %dma_start3A_55 : memref<1x1x128xi32, #tpu.memory_space<hbm>> -> memref<128xi32, #tpu.memory_space<hbm>>
    tpu.enqueue_dma source(%dma_start3A_56 : memref<128xi32, #tpu.memory_space<hbm>>) target(%arg33 : memref<128xi32, #tpu.memory_space<vmem>>) target_semaphore(%arg25 : memref<!tpu.dma_semaphore, #tpu.memory_space<semaphore_mem>>)
    %mul3A_57 = arith.constant 80 : i32
    %mul3A_58 = arith.muli %add3A, %mul3A_57 : i32
    %add3A_59 = arith.constant 2 : i32
    %add3A_60 = arith.addi %mul3A_58, %add3A_59 : i32
    %dma_start3A_61 = arith.constant 1 : i32
    %dma_start3A_62 = arith.constant 0 : i32
    %dma_start3A_63 = tpu.memref_slice %arg2[%dma_start3A_61, %add3A_60, %dma_start3A_62] : memref<2x2560x128xi32, #tpu.memory_space<hbm>> -> memref<1x1x128xi32, #tpu.memory_space<hbm>>
    %dma_start3A_64 = tpu.memref_squeeze %dma_start3A_63 : memref<1x1x128xi32, #tpu.memory_space<hbm>> -> memref<128xi32, #tpu.memory_space<hbm>>
    %dma_start3A_65 = arith.constant 0 : i32
    %dma_start3A_66 = tpu.memref_slice %arg2[%dma_start3A_61, %add3A_60, %dma_start3A_65] : memref<2x2560x128xi32, #tpu.memory_space<hbm>> -> memref<1x1x128xi32, #tpu.memory_space<hbm>>
    %dma_start3A_67 = tpu.memref_squeeze %dma_start3A_66 : memref<1x1x128xi32, #tpu.memory_space<hbm>> -> memref<128xi32, #tpu.memory_space<hbm>>
    tpu.enqueue_dma source(%dma_start3A_67 : memref<128xi32, #tpu.memory_space<hbm>>) target(%arg13 : memref<128xi32, #tpu.memory_space<vmem>>) target_semaphore(%arg25 : memref<!tpu.dma_semaphore, #tpu.memory_space<semaphore_mem>>)
    %mul3A_68 = arith.constant 80 : i32
    %mul3A_69 = arith.muli %add3A, %mul3A_68 : i32
    %add3A_70 = arith.constant 3 : i32
    %add3A_71 = arith.addi %mul3A_69, %add3A_70 : i32
    %dma_start3A_72 = arith.constant 0 : i32
    %dma_start3A_73 = arith.constant 0 : i32
    %dma_start3A_74 = tpu.memref_slice %arg2[%dma_start3A_72, %add3A_71, %dma_start3A_73] : memref<2x2560x128xi32, #tpu.memory_space<hbm>> -> memref<1x1x128xi32, #tpu.memory_space<hbm>>
    %dma_start3A_75 = tpu.memref_squeeze %dma_start3A_74 : memref<1x1x128xi32, #tpu.memory_space<hbm>> -> memref<128xi32, #tpu.memory_space<hbm>>
    %dma_start3A_76 = arith.constant 0 : i32
    %dma_start3A_77 = tpu.memref_slice %arg2[%dma_start3A_72, %add3A_71, %dma_start3A_76] : memref<2x2560x128xi32, #tpu.memory_space<hbm>> -> memref<1x1x128xi32, #tpu.memory_space<hbm>>
    %dma_start3A_78 = tpu.memref_squeeze %dma_start3A_77 : memref<1x1x128xi32, #tpu.memory_space<hbm>> -> memref<128xi32, #tpu.memory_space<hbm>>
    tpu.enqueue_dma source(%dma_start3A_78 : memref<128xi32, #tpu.memory_space<hbm>>) target(%arg34 : memref<128xi32, #tpu.memory_space<vmem>>) target_semaphore(%arg26 : memref<!tpu.dma_semaphore, #tpu.memory_space<semaphore_mem>>)
    %mul3A_79 = arith.constant 80 : i32
    %mul3A_80 = arith.muli %add3A, %mul3A_79 : i32
    %add3A_81 = arith.constant 3 : i32
    %add3A_82 = arith.addi %mul3A_80, %add3A_81 : i32
    %dma_start3A_83 = arith.constant 1 : i32
    %dma_start3A_84 = arith.constant 0 : i32
    %dma_start3A_85 = tpu.memref_slice %arg2[%dma_start3A_83, %add3A_82, %dma_start3A_84] : memref<2x2560x128xi32, #tpu.memory_space<hbm>> -> memref<1x1x128xi32, #tpu.memory_space<hbm>>
    %dma_start3A_86 = tpu.memref_squeeze %dma_start3A_85 : memref<1x1x128xi32, #tpu.memory_space<hbm>> -> memref<128xi32, #tpu.memory_space<hbm>>
    %dma_start3A_87 = arith.constant 0 : i32
    %dma_start3A_88 = tpu.memref_slice %arg2[%dma_start3A_83, %add3A_82, %dma_start3A_87] : memref<2x2560x128xi32, #tpu.memory_space<hbm>> -> memref<1x1x128xi32, #tpu.memory_space<hbm>>
    %dma_start3A_89 = tpu.memref_squeeze %dma_start3A_88 : memref<1x1x128xi32, #tpu.memory_space<hbm>> -> memref<128xi32, #tpu.memory_space<hbm>>
    tpu.enqueue_dma source(%dma_start3A_89 : memref<128xi32, #tpu.memory_space<hbm>>) target(%arg14 : memref<128xi32, #tpu.memory_space<vmem>>) target_semaphore(%arg26 : memref<!tpu.dma_semaphore, #tpu.memory_space<semaphore_mem>>)
    %dma_wait3A = arith.constant 0 : i32
    %dma_wait3A_90 = arith.constant 0 : i32
    %dma_wait3A_91 = arith.constant 0 : i32
    %dma_wait3A_92 = tpu.memref_slice %arg2[%dma_wait3A, %dma_wait3A_90, %dma_wait3A_91] : memref<2x2560x128xi32, #tpu.memory_space<hbm>> -> memref<1x1x128xi32, #tpu.memory_space<hbm>>
    %dma_wait3A_93 = tpu.memref_squeeze %dma_wait3A_92 : memref<1x1x128xi32, #tpu.memory_space<hbm>> -> memref<128xi32, #tpu.memory_space<hbm>>
    %dma_wait3A_94 = arith.constant 0 : i32
    %dma_wait3A_95 = tpu.memref_slice %arg2[%dma_wait3A, %dma_wait3A_90, %dma_wait3A_94] : memref<2x2560x128xi32, #tpu.memory_space<hbm>> -> memref<1x1x128xi32, #tpu.memory_space<hbm>>
    %dma_wait3A_96 = tpu.memref_squeeze %dma_wait3A_95 : memref<1x1x128xi32, #tpu.memory_space<hbm>> -> memref<128xi32, #tpu.memory_space<hbm>>
    tpu.wait_dma2 semaphore(%arg23 : memref<!tpu.dma_semaphore, #tpu.memory_space<semaphore_mem>>) src(%dma_wait3A_96 : memref<128xi32, #tpu.memory_space<hbm>>) dst(%arg31 : memref<128xi32, #tpu.memory_space<vmem>>)
    %dma_wait3A_97 = arith.constant 1 : i32
    %dma_wait3A_98 = arith.constant 0 : i32
    %dma_wait3A_99 = arith.constant 0 : i32
    %dma_wait3A_100 = tpu.memref_slice %arg2[%dma_wait3A_97, %dma_wait3A_98, %dma_wait3A_99] : memref<2x2560x128xi32, #tpu.memory_space<hbm>> -> memref<1x1x128xi32, #tpu.memory_space<hbm>>
    %dma_wait3A_101 = tpu.memref_squeeze %dma_wait3A_100 : memref<1x1x128xi32, #tpu.memory_space<hbm>> -> memref<128xi32, #tpu.memory_space<hbm>>
    %dma_wait3A_102 = arith.constant 0 : i32
    %dma_wait3A_103 = tpu.memref_slice %arg2[%dma_wait3A_97, %dma_wait3A_98, %dma_wait3A_102] : memref<2x2560x128xi32, #tpu.memory_space<hbm>> -> memref<1x1x128xi32, #tpu.memory_space<hbm>>
    %dma_wait3A_104 = tpu.memref_squeeze %dma_wait3A_103 : memref<1x1x128xi32, #tpu.memory_space<hbm>> -> memref<128xi32, #tpu.memory_space<hbm>>
    tpu.wait_dma2 semaphore(%arg23 : memref<!tpu.dma_semaphore, #tpu.memory_space<semaphore_mem>>) src(%dma_wait3A_104 : memref<128xi32, #tpu.memory_space<hbm>>) dst(%arg11 : memref<128xi32, #tpu.memory_space<vmem>>)
    %dma_start3A_105 = arith.constant 0 : i32
    %dma_start3A_106 = arith.constant 0 : i32
    %dma_start3A_107 = tpu.memref_slice %arg3[%dma_start3A_105, %dma_start3A_106] : memref<10112x128xbf16, #tpu.memory_space<hbm>> -> memref<10112x128xbf16, #tpu.memory_space<hbm>>
    tpu.enqueue_indirect_dma source(%dma_start3A_107 : memref<10112x128xbf16, #tpu.memory_space<hbm>>) target(%arg7 : memref<128x128xbf16, #tpu.memory_space<vmem>>) offsets(%arg31 : memref<128xi32, #tpu.memory_space<vmem>>) semaphore(%arg19 : memref<!tpu.dma_semaphore, #tpu.memory_space<semaphore_mem>>)
    %dma_wait3A_108 = arith.constant 0 : i32
    %dma_wait3A_109 = arith.constant 0 : i32
    %dma_wait3A_110 = arith.constant 0 : i32
    %dma_wait3A_111 = tpu.memref_slice %arg2[%dma_wait3A_108, %dma_wait3A_109, %dma_wait3A_110] : memref<2x2560x128xi32, #tpu.memory_space<hbm>> -> memref<1x1x128xi32, #tpu.memory_space<hbm>>
    %dma_wait3A_112 = tpu.memref_squeeze %dma_wait3A_111 : memref<1x1x128xi32, #tpu.memory_space<hbm>> -> memref<128xi32, #tpu.memory_space<hbm>>
    %dma_wait3A_113 = arith.constant 0 : i32
    %dma_wait3A_114 = tpu.memref_slice %arg2[%dma_wait3A_108, %dma_wait3A_109, %dma_wait3A_113] : memref<2x2560x128xi32, #tpu.memory_space<hbm>> -> memref<1x1x128xi32, #tpu.memory_space<hbm>>
    %dma_wait3A_115 = tpu.memref_squeeze %dma_wait3A_114 : memref<1x1x128xi32, #tpu.memory_space<hbm>> -> memref<128xi32, #tpu.memory_space<hbm>>
    tpu.wait_dma2 semaphore(%arg24 : memref<!tpu.dma_semaphore, #tpu.memory_space<semaphore_mem>>) src(%dma_wait3A_115 : memref<128xi32, #tpu.memory_space<hbm>>) dst(%arg32 : memref<128xi32, #tpu.memory_space<vmem>>)
    %dma_wait3A_116 = arith.constant 1 : i32
    %dma_wait3A_117 = arith.constant 0 : i32
    %dma_wait3A_118 = arith.constant 0 : i32
    %dma_wait3A_119 = tpu.memref_slice %arg2[%dma_wait3A_116, %dma_wait3A_117, %dma_wait3A_118] : memref<2x2560x128xi32, #tpu.memory_space<hbm>> -> memref<1x1x128xi32, #tpu.memory_space<hbm>>
    %dma_wait3A_120 = tpu.memref_squeeze %dma_wait3A_119 : memref<1x1x128xi32, #tpu.memory_space<hbm>> -> memref<128xi32, #tpu.memory_space<hbm>>
    %dma_wait3A_121 = arith.constant 0 : i32
    %dma_wait3A_122 = tpu.memref_slice %arg2[%dma_wait3A_116, %dma_wait3A_117, %dma_wait3A_121] : memref<2x2560x128xi32, #tpu.memory_space<hbm>> -> memref<1x1x128xi32, #tpu.memory_space<hbm>>
    %dma_wait3A_123 = tpu.memref_squeeze %dma_wait3A_122 : memref<1x1x128xi32, #tpu.memory_space<hbm>> -> memref<128xi32, #tpu.memory_space<hbm>>
    tpu.wait_dma2 semaphore(%arg24 : memref<!tpu.dma_semaphore, #tpu.memory_space<semaphore_mem>>) src(%dma_wait3A_123 : memref<128xi32, #tpu.memory_space<hbm>>) dst(%arg12 : memref<128xi32, #tpu.memory_space<vmem>>)
    %dma_start3A_124 = arith.constant 0 : i32
    %dma_start3A_125 = arith.constant 0 : i32
    %dma_start3A_126 = tpu.memref_slice %arg3[%dma_start3A_124, %dma_start3A_125] : memref<10112x128xbf16, #tpu.memory_space<hbm>> -> memref<10112x128xbf16, #tpu.memory_space<hbm>>
    tpu.enqueue_indirect_dma source(%dma_start3A_126 : memref<10112x128xbf16, #tpu.memory_space<hbm>>) target(%arg8 : memref<128x128xbf16, #tpu.memory_space<vmem>>) offsets(%arg32 : memref<128xi32, #tpu.memory_space<vmem>>) semaphore(%arg20 : memref<!tpu.dma_semaphore, #tpu.memory_space<semaphore_mem>>)
    %dma_wait3A_127 = arith.constant 0 : i32
    %dma_wait3A_128 = arith.constant 0 : i32
    %dma_wait3A_129 = arith.constant 0 : i32
    %dma_wait3A_130 = tpu.memref_slice %arg2[%dma_wait3A_127, %dma_wait3A_128, %dma_wait3A_129] : memref<2x2560x128xi32, #tpu.memory_space<hbm>> -> memref<1x1x128xi32, #tpu.memory_space<hbm>>
    %dma_wait3A_131 = tpu.memref_squeeze %dma_wait3A_130 : memref<1x1x128xi32, #tpu.memory_space<hbm>> -> memref<128xi32, #tpu.memory_space<hbm>>
    %dma_wait3A_132 = arith.constant 0 : i32
    %dma_wait3A_133 = tpu.memref_slice %arg2[%dma_wait3A_127, %dma_wait3A_128, %dma_wait3A_132] : memref<2x2560x128xi32, #tpu.memory_space<hbm>> -> memref<1x1x128xi32, #tpu.memory_space<hbm>>
    %dma_wait3A_134 = tpu.memref_squeeze %dma_wait3A_133 : memref<1x1x128xi32, #tpu.memory_space<hbm>> -> memref<128xi32, #tpu.memory_space<hbm>>
    tpu.wait_dma2 semaphore(%arg25 : memref<!tpu.dma_semaphore, #tpu.memory_space<semaphore_mem>>) src(%dma_wait3A_134 : memref<128xi32, #tpu.memory_space<hbm>>) dst(%arg33 : memref<128xi32, #tpu.memory_space<vmem>>)
    %dma_wait3A_135 = arith.constant 1 : i32
    %dma_wait3A_136 = arith.constant 0 : i32
    %dma_wait3A_137 = arith.constant 0 : i32
    %dma_wait3A_138 = tpu.memref_slice %arg2[%dma_wait3A_135, %dma_wait3A_136, %dma_wait3A_137] : memref<2x2560x128xi32, #tpu.memory_space<hbm>> -> memref<1x1x128xi32, #tpu.memory_space<hbm>>
    %dma_wait3A_139 = tpu.memref_squeeze %dma_wait3A_138 : memref<1x1x128xi32, #tpu.memory_space<hbm>> -> memref<128xi32, #tpu.memory_space<hbm>>
    %dma_wait3A_140 = arith.constant 0 : i32
    %dma_wait3A_141 = tpu.memref_slice %arg2[%dma_wait3A_135, %dma_wait3A_136, %dma_wait3A_140] : memref<2x2560x128xi32, #tpu.memory_space<hbm>> -> memref<1x1x128xi32, #tpu.memory_space<hbm>>
    %dma_wait3A_142 = tpu.memref_squeeze %dma_wait3A_141 : memref<1x1x128xi32, #tpu.memory_space<hbm>> -> memref<128xi32, #tpu.memory_space<hbm>>
    tpu.wait_dma2 semaphore(%arg25 : memref<!tpu.dma_semaphore, #tpu.memory_space<semaphore_mem>>) src(%dma_wait3A_142 : memref<128xi32, #tpu.memory_space<hbm>>) dst(%arg13 : memref<128xi32, #tpu.memory_space<vmem>>)
    %dma_start3A_143 = arith.constant 0 : i32
    %dma_start3A_144 = arith.constant 0 : i32
    %dma_start3A_145 = tpu.memref_slice %arg3[%dma_start3A_143, %dma_start3A_144] : memref<10112x128xbf16, #tpu.memory_space<hbm>> -> memref<10112x128xbf16, #tpu.memory_space<hbm>>
    tpu.enqueue_indirect_dma source(%dma_start3A_145 : memref<10112x128xbf16, #tpu.memory_space<hbm>>) target(%arg9 : memref<128x128xbf16, #tpu.memory_space<vmem>>) offsets(%arg33 : memref<128xi32, #tpu.memory_space<vmem>>) semaphore(%arg21 : memref<!tpu.dma_semaphore, #tpu.memory_space<semaphore_mem>>)
    %scan3A = arith.constant 0 : i32
    %scan3A_146 = arith.constant 0 : i32
    %scan3A_147 = arith.constant 10 : i32
    %scan3A_148 = arith.addi %scan3A_146, %scan3A_147 : i32
    %scan3A_149 = arith.constant 1 : i32
    scf.for %scan3A_199 = %scan3A_146 to %scan3A_148 step %scan3A_149  : i32 {
      %mul3A_200 = arith.constant 8 : i32
      %mul3A_201 = arith.muli %mul3A_200, %scan3A_199 : i32
      %add3A_202 = arith.constant 0 : i32
      %add3A_203 = arith.addi %mul3A_201, %add3A_202 : i32
      %dma_wait3A_204 = arith.constant 0 : i32
      %dma_wait3A_205 = arith.constant 0 : i32
      %dma_wait3A_206 = tpu.memref_slice %arg3[%dma_wait3A_204, %dma_wait3A_205] : memref<10112x128xbf16, #tpu.memory_space<hbm>> -> memref<10112x128xbf16, #tpu.memory_space<hbm>>
      tpu.wait_indirect_dma semaphore(%arg19 : memref<!tpu.dma_semaphore, #tpu.memory_space<semaphore_mem>>) src(%dma_wait3A_206 : memref<10112x128xbf16, #tpu.memory_space<hbm>>) dst(%arg7 : memref<128x128xbf16, #tpu.memory_space<vmem>>)
      %dma_start3A_207 = arith.constant 0 : i32
      %dma_start3A_208 = arith.constant 0 : i32
      %dma_start3A_209 = tpu.memref_slice %arg6[%dma_start3A_207, %dma_start3A_208] : memref<10112x128xbf16, #tpu.memory_space<vmem_shared>> -> memref<10112x128xbf16, #tpu.memory_space<vmem_shared>>
      tpu.enqueue_indirect_dma source(%arg7 : memref<128x128xbf16, #tpu.memory_space<vmem>>) target(%dma_start3A_209 : memref<10112x128xbf16, #tpu.memory_space<vmem_shared>>) offsets(%arg11 : memref<128xi32, #tpu.memory_space<vmem>>) semaphore(%arg39 : memref<!tpu.dma_semaphore, #tpu.memory_space<semaphore_mem>>) {add = true}
      %add3A_210 = arith.constant 4 : i32
      %add3A_211 = arith.addi %add3A_203, %add3A_210 : i32
      %lt3A = arith.constant 80 : i32
      %lt3A_212 = arith.cmpi slt, %add3A_211, %lt3A : i32
      %convert_element_type3A = arith.extui %lt3A_212 : i1 to i32
      %cond3A = arith.constant 0 : i32
      %cond3A_213 = arith.cmpi ne, %convert_element_type3A, %cond3A : i32
      scf.if %cond3A_213 {
        %add3A_389 = arith.constant 4 : i32
        %add3A_390 = arith.addi %add3A_203, %add3A_389 : i32
        %mul3A_391 = arith.constant 80 : i32
        %mul3A_392 = arith.muli %add3A, %mul3A_391 : i32
        %add3A_393 = arith.addi %mul3A_392, %add3A_390 : i32
        %dma_start3A_394 = arith.constant 0 : i32
        %dma_start3A_395 = arith.constant 0 : i32
        %dma_start3A_396 = tpu.memref_slice %arg2[%dma_start3A_394, %add3A_393, %dma_start3A_395] : memref<2x2560x128xi32, #tpu.memory_space<hbm>> -> memref<1x1x128xi32, #tpu.memory_space<hbm>>
        %dma_start3A_397 = tpu.memref_squeeze %dma_start3A_396 : memref<1x1x128xi32, #tpu.memory_space<hbm>> -> memref<128xi32, #tpu.memory_space<hbm>>
        %dma_start3A_398 = arith.constant 0 : i32
        %dma_start3A_399 = tpu.memref_slice %arg2[%dma_start3A_394, %add3A_393, %dma_start3A_398] : memref<2x2560x128xi32, #tpu.memory_space<hbm>> -> memref<1x1x128xi32, #tpu.memory_space<hbm>>
        %dma_start3A_400 = tpu.memref_squeeze %dma_start3A_399 : memref<1x1x128xi32, #tpu.memory_space<hbm>> -> memref<128xi32, #tpu.memory_space<hbm>>
        tpu.enqueue_dma source(%dma_start3A_400 : memref<128xi32, #tpu.memory_space<hbm>>) target(%arg35 : memref<128xi32, #tpu.memory_space<vmem>>) target_semaphore(%arg27 : memref<!tpu.dma_semaphore, #tpu.memory_space<semaphore_mem>>)
        %mul3A_401 = arith.constant 80 : i32
        %mul3A_402 = arith.muli %add3A, %mul3A_401 : i32
        %add3A_403 = arith.addi %mul3A_402, %add3A_390 : i32
        %dma_start3A_404 = arith.constant 1 : i32
        %dma_start3A_405 = arith.constant 0 : i32
        %dma_start3A_406 = tpu.memref_slice %arg2[%dma_start3A_404, %add3A_403, %dma_start3A_405] : memref<2x2560x128xi32, #tpu.memory_space<hbm>> -> memref<1x1x128xi32, #tpu.memory_space<hbm>>
        %dma_start3A_407 = tpu.memref_squeeze %dma_start3A_406 : memref<1x1x128xi32, #tpu.memory_space<hbm>> -> memref<128xi32, #tpu.memory_space<hbm>>
        %dma_start3A_408 = arith.constant 0 : i32
        %dma_start3A_409 = tpu.memref_slice %arg2[%dma_start3A_404, %add3A_403, %dma_start3A_408] : memref<2x2560x128xi32, #tpu.memory_space<hbm>> -> memref<1x1x128xi32, #tpu.memory_space<hbm>>
        %dma_start3A_410 = tpu.memref_squeeze %dma_start3A_409 : memref<1x1x128xi32, #tpu.memory_space<hbm>> -> memref<128xi32, #tpu.memory_space<hbm>>
        tpu.enqueue_dma source(%dma_start3A_410 : memref<128xi32, #tpu.memory_space<hbm>>) target(%arg15 : memref<128xi32, #tpu.memory_space<vmem>>) target_semaphore(%arg27 : memref<!tpu.dma_semaphore, #tpu.memory_space<semaphore_mem>>)
      } else {
      }
      %add3A_214 = arith.constant 3 : i32
      %add3A_215 = arith.addi %add3A_203, %add3A_214 : i32
      %lt3A_216 = arith.constant 80 : i32
      %lt3A_217 = arith.cmpi slt, %add3A_215, %lt3A_216 : i32
      %convert_element_type3A_218 = arith.extui %lt3A_217 : i1 to i32
      %cond3A_219 = arith.constant 0 : i32
      %cond3A_220 = arith.cmpi ne, %convert_element_type3A_218, %cond3A_219 : i32
      scf.if %cond3A_220 {
        %ge3A = arith.constant 1 : i32
        %ge3A_389 = arith.cmpi sge, %add3A_203, %ge3A : i32
        %convert_element_type3A_390 = arith.extui %ge3A_389 : i1 to i32
        %cond3A_391 = arith.constant 0 : i32
        %cond3A_392 = arith.cmpi ne, %convert_element_type3A_390, %cond3A_391 : i32
        scf.if %cond3A_392 {
          %dma_wait3A_412 = arith.constant 0 : i32
          %dma_wait3A_413 = arith.constant 0 : i32
          %dma_wait3A_414 = tpu.memref_slice %arg6[%dma_wait3A_412, %dma_wait3A_413] : memref<10112x128xbf16, #tpu.memory_space<vmem_shared>> -> memref<10112x128xbf16, #tpu.memory_space<vmem_shared>>
          tpu.wait_indirect_dma semaphore(%arg42 : memref<!tpu.dma_semaphore, #tpu.memory_space<semaphore_mem>>) src(%arg10 : memref<128x128xbf16, #tpu.memory_space<vmem>>) dst(%dma_wait3A_414 : memref<10112x128xbf16, #tpu.memory_space<vmem_shared>>)
        } else {
        }
        %dma_wait3A_393 = arith.constant 0 : i32
        %dma_wait3A_394 = arith.constant 0 : i32
        %dma_wait3A_395 = arith.constant 0 : i32
        %dma_wait3A_396 = tpu.memref_slice %arg2[%dma_wait3A_393, %dma_wait3A_394, %dma_wait3A_395] : memref<2x2560x128xi32, #tpu.memory_space<hbm>> -> memref<1x1x128xi32, #tpu.memory_space<hbm>>
        %dma_wait3A_397 = tpu.memref_squeeze %dma_wait3A_396 : memref<1x1x128xi32, #tpu.memory_space<hbm>> -> memref<128xi32, #tpu.memory_space<hbm>>
        %dma_wait3A_398 = arith.constant 0 : i32
        %dma_wait3A_399 = tpu.memref_slice %arg2[%dma_wait3A_393, %dma_wait3A_394, %dma_wait3A_398] : memref<2x2560x128xi32, #tpu.memory_space<hbm>> -> memref<1x1x128xi32, #tpu.memory_space<hbm>>
        %dma_wait3A_400 = tpu.memref_squeeze %dma_wait3A_399 : memref<1x1x128xi32, #tpu.memory_space<hbm>> -> memref<128xi32, #tpu.memory_space<hbm>>
        tpu.wait_dma2 semaphore(%arg26 : memref<!tpu.dma_semaphore, #tpu.memory_space<semaphore_mem>>) src(%dma_wait3A_400 : memref<128xi32, #tpu.memory_space<hbm>>) dst(%arg34 : memref<128xi32, #tpu.memory_space<vmem>>)
        %dma_wait3A_401 = arith.constant 1 : i32
        %dma_wait3A_402 = arith.constant 0 : i32
        %dma_wait3A_403 = arith.constant 0 : i32
        %dma_wait3A_404 = tpu.memref_slice %arg2[%dma_wait3A_401, %dma_wait3A_402, %dma_wait3A_403] : memref<2x2560x128xi32, #tpu.memory_space<hbm>> -> memref<1x1x128xi32, #tpu.memory_space<hbm>>
        %dma_wait3A_405 = tpu.memref_squeeze %dma_wait3A_404 : memref<1x1x128xi32, #tpu.memory_space<hbm>> -> memref<128xi32, #tpu.memory_space<hbm>>
        %dma_wait3A_406 = arith.constant 0 : i32
        %dma_wait3A_407 = tpu.memref_slice %arg2[%dma_wait3A_401, %dma_wait3A_402, %dma_wait3A_406] : memref<2x2560x128xi32, #tpu.memory_space<hbm>> -> memref<1x1x128xi32, #tpu.memory_space<hbm>>
        %dma_wait3A_408 = tpu.memref_squeeze %dma_wait3A_407 : memref<1x1x128xi32, #tpu.memory_space<hbm>> -> memref<128xi32, #tpu.memory_space<hbm>>
        tpu.wait_dma2 semaphore(%arg26 : memref<!tpu.dma_semaphore, #tpu.memory_space<semaphore_mem>>) src(%dma_wait3A_408 : memref<128xi32, #tpu.memory_space<hbm>>) dst(%arg14 : memref<128xi32, #tpu.memory_space<vmem>>)
        %dma_start3A_409 = arith.constant 0 : i32
        %dma_start3A_410 = arith.constant 0 : i32
        %dma_start3A_411 = tpu.memref_slice %arg3[%dma_start3A_409, %dma_start3A_410] : memref<10112x128xbf16, #tpu.memory_space<hbm>> -> memref<10112x128xbf16, #tpu.memory_space<hbm>>
        tpu.enqueue_indirect_dma source(%dma_start3A_411 : memref<10112x128xbf16, #tpu.memory_space<hbm>>) target(%arg10 : memref<128x128xbf16, #tpu.memory_space<vmem>>) offsets(%arg34 : memref<128xi32, #tpu.memory_space<vmem>>) semaphore(%arg22 : memref<!tpu.dma_semaphore, #tpu.memory_space<semaphore_mem>>)
      } else {
      }
      %mul3A_221 = arith.constant 8 : i32
      %mul3A_222 = arith.muli %mul3A_221, %scan3A_199 : i32
      %add3A_223 = arith.constant 1 : i32
      %add3A_224 = arith.addi %mul3A_222, %add3A_223 : i32
      %dma_wait3A_225 = arith.constant 0 : i32
      %dma_wait3A_226 = arith.constant 0 : i32
      %dma_wait3A_227 = tpu.memref_slice %arg3[%dma_wait3A_225, %dma_wait3A_226] : memref<10112x128xbf16, #tpu.memory_space<hbm>> -> memref<10112x128xbf16, #tpu.memory_space<hbm>>
      tpu.wait_indirect_dma semaphore(%arg20 : memref<!tpu.dma_semaphore, #tpu.memory_space<semaphore_mem>>) src(%dma_wait3A_227 : memref<10112x128xbf16, #tpu.memory_space<hbm>>) dst(%arg8 : memref<128x128xbf16, #tpu.memory_space<vmem>>)
      %dma_start3A_228 = arith.constant 0 : i32
      %dma_start3A_229 = arith.constant 0 : i32
      %dma_start3A_230 = tpu.memref_slice %arg6[%dma_start3A_228, %dma_start3A_229] : memref<10112x128xbf16, #tpu.memory_space<vmem_shared>> -> memref<10112x128xbf16, #tpu.memory_space<vmem_shared>>
      tpu.enqueue_indirect_dma source(%arg8 : memref<128x128xbf16, #tpu.memory_space<vmem>>) target(%dma_start3A_230 : memref<10112x128xbf16, #tpu.memory_space<vmem_shared>>) offsets(%arg12 : memref<128xi32, #tpu.memory_space<vmem>>) semaphore(%arg40 : memref<!tpu.dma_semaphore, #tpu.memory_space<semaphore_mem>>) {add = true}
      %add3A_231 = arith.constant 4 : i32
      %add3A_232 = arith.addi %add3A_224, %add3A_231 : i32
      %lt3A_233 = arith.constant 80 : i32
      %lt3A_234 = arith.cmpi slt, %add3A_232, %lt3A_233 : i32
      %convert_element_type3A_235 = arith.extui %lt3A_234 : i1 to i32
      %cond3A_236 = arith.constant 0 : i32
      %cond3A_237 = arith.cmpi ne, %convert_element_type3A_235, %cond3A_236 : i32
      scf.if %cond3A_237 {
        %add3A_389 = arith.constant 4 : i32
        %add3A_390 = arith.addi %add3A_224, %add3A_389 : i32
        %mul3A_391 = arith.constant 80 : i32
        %mul3A_392 = arith.muli %add3A, %mul3A_391 : i32
        %add3A_393 = arith.addi %mul3A_392, %add3A_390 : i32
        %dma_start3A_394 = arith.constant 0 : i32
        %dma_start3A_395 = arith.constant 0 : i32
        %dma_start3A_396 = tpu.memref_slice %arg2[%dma_start3A_394, %add3A_393, %dma_start3A_395] : memref<2x2560x128xi32, #tpu.memory_space<hbm>> -> memref<1x1x128xi32, #tpu.memory_space<hbm>>
        %dma_start3A_397 = tpu.memref_squeeze %dma_start3A_396 : memref<1x1x128xi32, #tpu.memory_space<hbm>> -> memref<128xi32, #tpu.memory_space<hbm>>
        %dma_start3A_398 = arith.constant 0 : i32
        %dma_start3A_399 = tpu.memref_slice %arg2[%dma_start3A_394, %add3A_393, %dma_start3A_398] : memref<2x2560x128xi32, #tpu.memory_space<hbm>> -> memref<1x1x128xi32, #tpu.memory_space<hbm>>
        %dma_start3A_400 = tpu.memref_squeeze %dma_start3A_399 : memref<1x1x128xi32, #tpu.memory_space<hbm>> -> memref<128xi32, #tpu.memory_space<hbm>>
        tpu.enqueue_dma source(%dma_start3A_400 : memref<128xi32, #tpu.memory_space<hbm>>) target(%arg36 : memref<128xi32, #tpu.memory_space<vmem>>) target_semaphore(%arg28 : memref<!tpu.dma_semaphore, #tpu.memory_space<semaphore_mem>>)
        %mul3A_401 = arith.constant 80 : i32
        %mul3A_402 = arith.muli %add3A, %mul3A_401 : i32
        %add3A_403 = arith.addi %mul3A_402, %add3A_390 : i32
        %dma_start3A_404 = arith.constant 1 : i32
        %dma_start3A_405 = arith.constant 0 : i32
        %dma_start3A_406 = tpu.memref_slice %arg2[%dma_start3A_404, %add3A_403, %dma_start3A_405] : memref<2x2560x128xi32, #tpu.memory_space<hbm>> -> memref<1x1x128xi32, #tpu.memory_space<hbm>>
        %dma_start3A_407 = tpu.memref_squeeze %dma_start3A_406 : memref<1x1x128xi32, #tpu.memory_space<hbm>> -> memref<128xi32, #tpu.memory_space<hbm>>
        %dma_start3A_408 = arith.constant 0 : i32
        %dma_start3A_409 = tpu.memref_slice %arg2[%dma_start3A_404, %add3A_403, %dma_start3A_408] : memref<2x2560x128xi32, #tpu.memory_space<hbm>> -> memref<1x1x128xi32, #tpu.memory_space<hbm>>
        %dma_start3A_410 = tpu.memref_squeeze %dma_start3A_409 : memref<1x1x128xi32, #tpu.memory_space<hbm>> -> memref<128xi32, #tpu.memory_space<hbm>>
        tpu.enqueue_dma source(%dma_start3A_410 : memref<128xi32, #tpu.memory_space<hbm>>) target(%arg16 : memref<128xi32, #tpu.memory_space<vmem>>) target_semaphore(%arg28 : memref<!tpu.dma_semaphore, #tpu.memory_space<semaphore_mem>>)
      } else {
      }
      %add3A_238 = arith.constant 3 : i32
      %add3A_239 = arith.addi %add3A_224, %add3A_238 : i32
      %lt3A_240 = arith.constant 80 : i32
      %lt3A_241 = arith.cmpi slt, %add3A_239, %lt3A_240 : i32
      %convert_element_type3A_242 = arith.extui %lt3A_241 : i1 to i32
      %cond3A_243 = arith.constant 0 : i32
      %cond3A_244 = arith.cmpi ne, %convert_element_type3A_242, %cond3A_243 : i32
      scf.if %cond3A_244 {
        %ge3A = arith.constant 1 : i32
        %ge3A_389 = arith.cmpi sge, %add3A_224, %ge3A : i32
        %convert_element_type3A_390 = arith.extui %ge3A_389 : i1 to i32
        %cond3A_391 = arith.constant 0 : i32
        %cond3A_392 = arith.cmpi ne, %convert_element_type3A_390, %cond3A_391 : i32
        scf.if %cond3A_392 {
          %dma_wait3A_412 = arith.constant 0 : i32
          %dma_wait3A_413 = arith.constant 0 : i32
          %dma_wait3A_414 = tpu.memref_slice %arg6[%dma_wait3A_412, %dma_wait3A_413] : memref<10112x128xbf16, #tpu.memory_space<vmem_shared>> -> memref<10112x128xbf16, #tpu.memory_space<vmem_shared>>
          tpu.wait_indirect_dma semaphore(%arg39 : memref<!tpu.dma_semaphore, #tpu.memory_space<semaphore_mem>>) src(%arg7 : memref<128x128xbf16, #tpu.memory_space<vmem>>) dst(%dma_wait3A_414 : memref<10112x128xbf16, #tpu.memory_space<vmem_shared>>)
        } else {
        }
        %dma_wait3A_393 = arith.constant 0 : i32
        %dma_wait3A_394 = arith.constant 0 : i32
        %dma_wait3A_395 = arith.constant 0 : i32
        %dma_wait3A_396 = tpu.memref_slice %arg2[%dma_wait3A_393, %dma_wait3A_394, %dma_wait3A_395] : memref<2x2560x128xi32, #tpu.memory_space<hbm>> -> memref<1x1x128xi32, #tpu.memory_space<hbm>>
        %dma_wait3A_397 = tpu.memref_squeeze %dma_wait3A_396 : memref<1x1x128xi32, #tpu.memory_space<hbm>> -> memref<128xi32, #tpu.memory_space<hbm>>
        %dma_wait3A_398 = arith.constant 0 : i32
        %dma_wait3A_399 = tpu.memref_slice %arg2[%dma_wait3A_393, %dma_wait3A_394, %dma_wait3A_398] : memref<2x2560x128xi32, #tpu.memory_space<hbm>> -> memref<1x1x128xi32, #tpu.memory_space<hbm>>
        %dma_wait3A_400 = tpu.memref_squeeze %dma_wait3A_399 : memref<1x1x128xi32, #tpu.memory_space<hbm>> -> memref<128xi32, #tpu.memory_space<hbm>>
        tpu.wait_dma2 semaphore(%arg27 : memref<!tpu.dma_semaphore, #tpu.memory_space<semaphore_mem>>) src(%dma_wait3A_400 : memref<128xi32, #tpu.memory_space<hbm>>) dst(%arg35 : memref<128xi32, #tpu.memory_space<vmem>>)
        %dma_wait3A_401 = arith.constant 1 : i32
        %dma_wait3A_402 = arith.constant 0 : i32
        %dma_wait3A_403 = arith.constant 0 : i32
        %dma_wait3A_404 = tpu.memref_slice %arg2[%dma_wait3A_401, %dma_wait3A_402, %dma_wait3A_403] : memref<2x2560x128xi32, #tpu.memory_space<hbm>> -> memref<1x1x128xi32, #tpu.memory_space<hbm>>
        %dma_wait3A_405 = tpu.memref_squeeze %dma_wait3A_404 : memref<1x1x128xi32, #tpu.memory_space<hbm>> -> memref<128xi32, #tpu.memory_space<hbm>>
        %dma_wait3A_406 = arith.constant 0 : i32
        %dma_wait3A_407 = tpu.memref_slice %arg2[%dma_wait3A_401, %dma_wait3A_402, %dma_wait3A_406] : memref<2x2560x128xi32, #tpu.memory_space<hbm>> -> memref<1x1x128xi32, #tpu.memory_space<hbm>>
        %dma_wait3A_408 = tpu.memref_squeeze %dma_wait3A_407 : memref<1x1x128xi32, #tpu.memory_space<hbm>> -> memref<128xi32, #tpu.memory_space<hbm>>
        tpu.wait_dma2 semaphore(%arg27 : memref<!tpu.dma_semaphore, #tpu.memory_space<semaphore_mem>>) src(%dma_wait3A_408 : memref<128xi32, #tpu.memory_space<hbm>>) dst(%arg15 : memref<128xi32, #tpu.memory_space<vmem>>)
        %dma_start3A_409 = arith.constant 0 : i32
        %dma_start3A_410 = arith.constant 0 : i32
        %dma_start3A_411 = tpu.memref_slice %arg3[%dma_start3A_409, %dma_start3A_410] : memref<10112x128xbf16, #tpu.memory_space<hbm>> -> memref<10112x128xbf16, #tpu.memory_space<hbm>>
        tpu.enqueue_indirect_dma source(%dma_start3A_411 : memref<10112x128xbf16, #tpu.memory_space<hbm>>) target(%arg7 : memref<128x128xbf16, #tpu.memory_space<vmem>>) offsets(%arg35 : memref<128xi32, #tpu.memory_space<vmem>>) semaphore(%arg19 : memref<!tpu.dma_semaphore, #tpu.memory_space<semaphore_mem>>)
      } else {
      }
      %mul3A_245 = arith.constant 8 : i32
      %mul3A_246 = arith.muli %mul3A_245, %scan3A_199 : i32
      %add3A_247 = arith.constant 2 : i32
      %add3A_248 = arith.addi %mul3A_246, %add3A_247 : i32
      %dma_wait3A_249 = arith.constant 0 : i32
      %dma_wait3A_250 = arith.constant 0 : i32
      %dma_wait3A_251 = tpu.memref_slice %arg3[%dma_wait3A_249, %dma_wait3A_250] : memref<10112x128xbf16, #tpu.memory_space<hbm>> -> memref<10112x128xbf16, #tpu.memory_space<hbm>>
      tpu.wait_indirect_dma semaphore(%arg21 : memref<!tpu.dma_semaphore, #tpu.memory_space<semaphore_mem>>) src(%dma_wait3A_251 : memref<10112x128xbf16, #tpu.memory_space<hbm>>) dst(%arg9 : memref<128x128xbf16, #tpu.memory_space<vmem>>)
      %dma_start3A_252 = arith.constant 0 : i32
      %dma_start3A_253 = arith.constant 0 : i32
      %dma_start3A_254 = tpu.memref_slice %arg6[%dma_start3A_252, %dma_start3A_253] : memref<10112x128xbf16, #tpu.memory_space<vmem_shared>> -> memref<10112x128xbf16, #tpu.memory_space<vmem_shared>>
      tpu.enqueue_indirect_dma source(%arg9 : memref<128x128xbf16, #tpu.memory_space<vmem>>) target(%dma_start3A_254 : memref<10112x128xbf16, #tpu.memory_space<vmem_shared>>) offsets(%arg13 : memref<128xi32, #tpu.memory_space<vmem>>) semaphore(%arg41 : memref<!tpu.dma_semaphore, #tpu.memory_space<semaphore_mem>>) {add = true}
      %add3A_255 = arith.constant 4 : i32
      %add3A_256 = arith.addi %add3A_248, %add3A_255 : i32
      %lt3A_257 = arith.constant 80 : i32
      %lt3A_258 = arith.cmpi slt, %add3A_256, %lt3A_257 : i32
      %convert_element_type3A_259 = arith.extui %lt3A_258 : i1 to i32
      %cond3A_260 = arith.constant 0 : i32
      %cond3A_261 = arith.cmpi ne, %convert_element_type3A_259, %cond3A_260 : i32
      scf.if %cond3A_261 {
        %add3A_389 = arith.constant 4 : i32
        %add3A_390 = arith.addi %add3A_248, %add3A_389 : i32
        %mul3A_391 = arith.constant 80 : i32
        %mul3A_392 = arith.muli %add3A, %mul3A_391 : i32
        %add3A_393 = arith.addi %mul3A_392, %add3A_390 : i32
        %dma_start3A_394 = arith.constant 0 : i32
        %dma_start3A_395 = arith.constant 0 : i32
        %dma_start3A_396 = tpu.memref_slice %arg2[%dma_start3A_394, %add3A_393, %dma_start3A_395] : memref<2x2560x128xi32, #tpu.memory_space<hbm>> -> memref<1x1x128xi32, #tpu.memory_space<hbm>>
        %dma_start3A_397 = tpu.memref_squeeze %dma_start3A_396 : memref<1x1x128xi32, #tpu.memory_space<hbm>> -> memref<128xi32, #tpu.memory_space<hbm>>
        %dma_start3A_398 = arith.constant 0 : i32
        %dma_start3A_399 = tpu.memref_slice %arg2[%dma_start3A_394, %add3A_393, %dma_start3A_398] : memref<2x2560x128xi32, #tpu.memory_space<hbm>> -> memref<1x1x128xi32, #tpu.memory_space<hbm>>
        %dma_start3A_400 = tpu.memref_squeeze %dma_start3A_399 : memref<1x1x128xi32, #tpu.memory_space<hbm>> -> memref<128xi32, #tpu.memory_space<hbm>>
        tpu.enqueue_dma source(%dma_start3A_400 : memref<128xi32, #tpu.memory_space<hbm>>) target(%arg37 : memref<128xi32, #tpu.memory_space<vmem>>) target_semaphore(%arg29 : memref<!tpu.dma_semaphore, #tpu.memory_space<semaphore_mem>>)
        %mul3A_401 = arith.constant 80 : i32
        %mul3A_402 = arith.muli %add3A, %mul3A_401 : i32
        %add3A_403 = arith.addi %mul3A_402, %add3A_390 : i32
        %dma_start3A_404 = arith.constant 1 : i32
        %dma_start3A_405 = arith.constant 0 : i32
        %dma_start3A_406 = tpu.memref_slice %arg2[%dma_start3A_404, %add3A_403, %dma_start3A_405] : memref<2x2560x128xi32, #tpu.memory_space<hbm>> -> memref<1x1x128xi32, #tpu.memory_space<hbm>>
        %dma_start3A_407 = tpu.memref_squeeze %dma_start3A_406 : memref<1x1x128xi32, #tpu.memory_space<hbm>> -> memref<128xi32, #tpu.memory_space<hbm>>
        %dma_start3A_408 = arith.constant 0 : i32
        %dma_start3A_409 = tpu.memref_slice %arg2[%dma_start3A_404, %add3A_403, %dma_start3A_408] : memref<2x2560x128xi32, #tpu.memory_space<hbm>> -> memref<1x1x128xi32, #tpu.memory_space<hbm>>
        %dma_start3A_410 = tpu.memref_squeeze %dma_start3A_409 : memref<1x1x128xi32, #tpu.memory_space<hbm>> -> memref<128xi32, #tpu.memory_space<hbm>>
        tpu.enqueue_dma source(%dma_start3A_410 : memref<128xi32, #tpu.memory_space<hbm>>) target(%arg17 : memref<128xi32, #tpu.memory_space<vmem>>) target_semaphore(%arg29 : memref<!tpu.dma_semaphore, #tpu.memory_space<semaphore_mem>>)
      } else {
      }
      %add3A_262 = arith.constant 3 : i32
      %add3A_263 = arith.addi %add3A_248, %add3A_262 : i32
      %lt3A_264 = arith.constant 80 : i32
      %lt3A_265 = arith.cmpi slt, %add3A_263, %lt3A_264 : i32
      %convert_element_type3A_266 = arith.extui %lt3A_265 : i1 to i32
      %cond3A_267 = arith.constant 0 : i32
      %cond3A_268 = arith.cmpi ne, %convert_element_type3A_266, %cond3A_267 : i32
      scf.if %cond3A_268 {
        %ge3A = arith.constant 1 : i32
        %ge3A_389 = arith.cmpi sge, %add3A_248, %ge3A : i32
        %convert_element_type3A_390 = arith.extui %ge3A_389 : i1 to i32
        %cond3A_391 = arith.constant 0 : i32
        %cond3A_392 = arith.cmpi ne, %convert_element_type3A_390, %cond3A_391 : i32
        scf.if %cond3A_392 {
          %dma_wait3A_412 = arith.constant 0 : i32
          %dma_wait3A_413 = arith.constant 0 : i32
          %dma_wait3A_414 = tpu.memref_slice %arg6[%dma_wait3A_412, %dma_wait3A_413] : memref<10112x128xbf16, #tpu.memory_space<vmem_shared>> -> memref<10112x128xbf16, #tpu.memory_space<vmem_shared>>
          tpu.wait_indirect_dma semaphore(%arg40 : memref<!tpu.dma_semaphore, #tpu.memory_space<semaphore_mem>>) src(%arg8 : memref<128x128xbf16, #tpu.memory_space<vmem>>) dst(%dma_wait3A_414 : memref<10112x128xbf16, #tpu.memory_space<vmem_shared>>)
        } else {
        }
        %dma_wait3A_393 = arith.constant 0 : i32
        %dma_wait3A_394 = arith.constant 0 : i32
        %dma_wait3A_395 = arith.constant 0 : i32
        %dma_wait3A_396 = tpu.memref_slice %arg2[%dma_wait3A_393, %dma_wait3A_394, %dma_wait3A_395] : memref<2x2560x128xi32, #tpu.memory_space<hbm>> -> memref<1x1x128xi32, #tpu.memory_space<hbm>>
        %dma_wait3A_397 = tpu.memref_squeeze %dma_wait3A_396 : memref<1x1x128xi32, #tpu.memory_space<hbm>> -> memref<128xi32, #tpu.memory_space<hbm>>
        %dma_wait3A_398 = arith.constant 0 : i32
        %dma_wait3A_399 = tpu.memref_slice %arg2[%dma_wait3A_393, %dma_wait3A_394, %dma_wait3A_398] : memref<2x2560x128xi32, #tpu.memory_space<hbm>> -> memref<1x1x128xi32, #tpu.memory_space<hbm>>
        %dma_wait3A_400 = tpu.memref_squeeze %dma_wait3A_399 : memref<1x1x128xi32, #tpu.memory_space<hbm>> -> memref<128xi32, #tpu.memory_space<hbm>>
        tpu.wait_dma2 semaphore(%arg28 : memref<!tpu.dma_semaphore, #tpu.memory_space<semaphore_mem>>) src(%dma_wait3A_400 : memref<128xi32, #tpu.memory_space<hbm>>) dst(%arg36 : memref<128xi32, #tpu.memory_space<vmem>>)
        %dma_wait3A_401 = arith.constant 1 : i32
        %dma_wait3A_402 = arith.constant 0 : i32
        %dma_wait3A_403 = arith.constant 0 : i32
        %dma_wait3A_404 = tpu.memref_slice %arg2[%dma_wait3A_401, %dma_wait3A_402, %dma_wait3A_403] : memref<2x2560x128xi32, #tpu.memory_space<hbm>> -> memref<1x1x128xi32, #tpu.memory_space<hbm>>
        %dma_wait3A_405 = tpu.memref_squeeze %dma_wait3A_404 : memref<1x1x128xi32, #tpu.memory_space<hbm>> -> memref<128xi32, #tpu.memory_space<hbm>>
        %dma_wait3A_406 = arith.constant 0 : i32
        %dma_wait3A_407 = tpu.memref_slice %arg2[%dma_wait3A_401, %dma_wait3A_402, %dma_wait3A_406] : memref<2x2560x128xi32, #tpu.memory_space<hbm>> -> memref<1x1x128xi32, #tpu.memory_space<hbm>>
        %dma_wait3A_408 = tpu.memref_squeeze %dma_wait3A_407 : memref<1x1x128xi32, #tpu.memory_space<hbm>> -> memref<128xi32, #tpu.memory_space<hbm>>
        tpu.wait_dma2 semaphore(%arg28 : memref<!tpu.dma_semaphore, #tpu.memory_space<semaphore_mem>>) src(%dma_wait3A_408 : memref<128xi32, #tpu.memory_space<hbm>>) dst(%arg16 : memref<128xi32, #tpu.memory_space<vmem>>)
        %dma_start3A_409 = arith.constant 0 : i32
        %dma_start3A_410 = arith.constant 0 : i32
        %dma_start3A_411 = tpu.memref_slice %arg3[%dma_start3A_409, %dma_start3A_410] : memref<10112x128xbf16, #tpu.memory_space<hbm>> -> memref<10112x128xbf16, #tpu.memory_space<hbm>>
        tpu.enqueue_indirect_dma source(%dma_start3A_411 : memref<10112x128xbf16, #tpu.memory_space<hbm>>) target(%arg8 : memref<128x128xbf16, #tpu.memory_space<vmem>>) offsets(%arg36 : memref<128xi32, #tpu.memory_space<vmem>>) semaphore(%arg20 : memref<!tpu.dma_semaphore, #tpu.memory_space<semaphore_mem>>)
      } else {
      }
      %mul3A_269 = arith.constant 8 : i32
      %mul3A_270 = arith.muli %mul3A_269, %scan3A_199 : i32
      %add3A_271 = arith.constant 3 : i32
      %add3A_272 = arith.addi %mul3A_270, %add3A_271 : i32
      %dma_wait3A_273 = arith.constant 0 : i32
      %dma_wait3A_274 = arith.constant 0 : i32
      %dma_wait3A_275 = tpu.memref_slice %arg3[%dma_wait3A_273, %dma_wait3A_274] : memref<10112x128xbf16, #tpu.memory_space<hbm>> -> memref<10112x128xbf16, #tpu.memory_space<hbm>>
      tpu.wait_indirect_dma semaphore(%arg22 : memref<!tpu.dma_semaphore, #tpu.memory_space<semaphore_mem>>) src(%dma_wait3A_275 : memref<10112x128xbf16, #tpu.memory_space<hbm>>) dst(%arg10 : memref<128x128xbf16, #tpu.memory_space<vmem>>)
      %dma_start3A_276 = arith.constant 0 : i32
      %dma_start3A_277 = arith.constant 0 : i32
      %dma_start3A_278 = tpu.memref_slice %arg6[%dma_start3A_276, %dma_start3A_277] : memref<10112x128xbf16, #tpu.memory_space<vmem_shared>> -> memref<10112x128xbf16, #tpu.memory_space<vmem_shared>>
      tpu.enqueue_indirect_dma source(%arg10 : memref<128x128xbf16, #tpu.memory_space<vmem>>) target(%dma_start3A_278 : memref<10112x128xbf16, #tpu.memory_space<vmem_shared>>) offsets(%arg14 : memref<128xi32, #tpu.memory_space<vmem>>) semaphore(%arg42 : memref<!tpu.dma_semaphore, #tpu.memory_space<semaphore_mem>>) {add = true}
      %add3A_279 = arith.constant 4 : i32
      %add3A_280 = arith.addi %add3A_272, %add3A_279 : i32
      %lt3A_281 = arith.constant 80 : i32
      %lt3A_282 = arith.cmpi slt, %add3A_280, %lt3A_281 : i32
      %convert_element_type3A_283 = arith.extui %lt3A_282 : i1 to i32
      %cond3A_284 = arith.constant 0 : i32
      %cond3A_285 = arith.cmpi ne, %convert_element_type3A_283, %cond3A_284 : i32
      scf.if %cond3A_285 {
        %add3A_389 = arith.constant 4 : i32
        %add3A_390 = arith.addi %add3A_272, %add3A_389 : i32
        %mul3A_391 = arith.constant 80 : i32
        %mul3A_392 = arith.muli %add3A, %mul3A_391 : i32
        %add3A_393 = arith.addi %mul3A_392, %add3A_390 : i32
        %dma_start3A_394 = arith.constant 0 : i32
        %dma_start3A_395 = arith.constant 0 : i32
        %dma_start3A_396 = tpu.memref_slice %arg2[%dma_start3A_394, %add3A_393, %dma_start3A_395] : memref<2x2560x128xi32, #tpu.memory_space<hbm>> -> memref<1x1x128xi32, #tpu.memory_space<hbm>>
        %dma_start3A_397 = tpu.memref_squeeze %dma_start3A_396 : memref<1x1x128xi32, #tpu.memory_space<hbm>> -> memref<128xi32, #tpu.memory_space<hbm>>
        %dma_start3A_398 = arith.constant 0 : i32
        %dma_start3A_399 = tpu.memref_slice %arg2[%dma_start3A_394, %add3A_393, %dma_start3A_398] : memref<2x2560x128xi32, #tpu.memory_space<hbm>> -> memref<1x1x128xi32, #tpu.memory_space<hbm>>
        %dma_start3A_400 = tpu.memref_squeeze %dma_start3A_399 : memref<1x1x128xi32, #tpu.memory_space<hbm>> -> memref<128xi32, #tpu.memory_space<hbm>>
        tpu.enqueue_dma source(%dma_start3A_400 : memref<128xi32, #tpu.memory_space<hbm>>) target(%arg38 : memref<128xi32, #tpu.memory_space<vmem>>) target_semaphore(%arg30 : memref<!tpu.dma_semaphore, #tpu.memory_space<semaphore_mem>>)
        %mul3A_401 = arith.constant 80 : i32
        %mul3A_402 = arith.muli %add3A, %mul3A_401 : i32
        %add3A_403 = arith.addi %mul3A_402, %add3A_390 : i32
        %dma_start3A_404 = arith.constant 1 : i32
        %dma_start3A_405 = arith.constant 0 : i32
        %dma_start3A_406 = tpu.memref_slice %arg2[%dma_start3A_404, %add3A_403, %dma_start3A_405] : memref<2x2560x128xi32, #tpu.memory_space<hbm>> -> memref<1x1x128xi32, #tpu.memory_space<hbm>>
        %dma_start3A_407 = tpu.memref_squeeze %dma_start3A_406 : memref<1x1x128xi32, #tpu.memory_space<hbm>> -> memref<128xi32, #tpu.memory_space<hbm>>
        %dma_start3A_408 = arith.constant 0 : i32
        %dma_start3A_409 = tpu.memref_slice %arg2[%dma_start3A_404, %add3A_403, %dma_start3A_408] : memref<2x2560x128xi32, #tpu.memory_space<hbm>> -> memref<1x1x128xi32, #tpu.memory_space<hbm>>
        %dma_start3A_410 = tpu.memref_squeeze %dma_start3A_409 : memref<1x1x128xi32, #tpu.memory_space<hbm>> -> memref<128xi32, #tpu.memory_space<hbm>>
        tpu.enqueue_dma source(%dma_start3A_410 : memref<128xi32, #tpu.memory_space<hbm>>) target(%arg18 : memref<128xi32, #tpu.memory_space<vmem>>) target_semaphore(%arg30 : memref<!tpu.dma_semaphore, #tpu.memory_space<semaphore_mem>>)
      } else {
      }
      %add3A_286 = arith.constant 3 : i32
      %add3A_287 = arith.addi %add3A_272, %add3A_286 : i32
      %lt3A_288 = arith.constant 80 : i32
      %lt3A_289 = arith.cmpi slt, %add3A_287, %lt3A_288 : i32
      %convert_element_type3A_290 = arith.extui %lt3A_289 : i1 to i32
      %cond3A_291 = arith.constant 0 : i32
      %cond3A_292 = arith.cmpi ne, %convert_element_type3A_290, %cond3A_291 : i32
      scf.if %cond3A_292 {
        %ge3A = arith.constant 1 : i32
        %ge3A_389 = arith.cmpi sge, %add3A_272, %ge3A : i32
        %convert_element_type3A_390 = arith.extui %ge3A_389 : i1 to i32
        %cond3A_391 = arith.constant 0 : i32
        %cond3A_392 = arith.cmpi ne, %convert_element_type3A_390, %cond3A_391 : i32
        scf.if %cond3A_392 {
          %dma_wait3A_412 = arith.constant 0 : i32
          %dma_wait3A_413 = arith.constant 0 : i32
          %dma_wait3A_414 = tpu.memref_slice %arg6[%dma_wait3A_412, %dma_wait3A_413] : memref<10112x128xbf16, #tpu.memory_space<vmem_shared>> -> memref<10112x128xbf16, #tpu.memory_space<vmem_shared>>
          tpu.wait_indirect_dma semaphore(%arg41 : memref<!tpu.dma_semaphore, #tpu.memory_space<semaphore_mem>>) src(%arg9 : memref<128x128xbf16, #tpu.memory_space<vmem>>) dst(%dma_wait3A_414 : memref<10112x128xbf16, #tpu.memory_space<vmem_shared>>)
        } else {
        }
        %dma_wait3A_393 = arith.constant 0 : i32
        %dma_wait3A_394 = arith.constant 0 : i32
        %dma_wait3A_395 = arith.constant 0 : i32
        %dma_wait3A_396 = tpu.memref_slice %arg2[%dma_wait3A_393, %dma_wait3A_394, %dma_wait3A_395] : memref<2x2560x128xi32, #tpu.memory_space<hbm>> -> memref<1x1x128xi32, #tpu.memory_space<hbm>>
        %dma_wait3A_397 = tpu.memref_squeeze %dma_wait3A_396 : memref<1x1x128xi32, #tpu.memory_space<hbm>> -> memref<128xi32, #tpu.memory_space<hbm>>
        %dma_wait3A_398 = arith.constant 0 : i32
        %dma_wait3A_399 = tpu.memref_slice %arg2[%dma_wait3A_393, %dma_wait3A_394, %dma_wait3A_398] : memref<2x2560x128xi32, #tpu.memory_space<hbm>> -> memref<1x1x128xi32, #tpu.memory_space<hbm>>
        %dma_wait3A_400 = tpu.memref_squeeze %dma_wait3A_399 : memref<1x1x128xi32, #tpu.memory_space<hbm>> -> memref<128xi32, #tpu.memory_space<hbm>>
        tpu.wait_dma2 semaphore(%arg29 : memref<!tpu.dma_semaphore, #tpu.memory_space<semaphore_mem>>) src(%dma_wait3A_400 : memref<128xi32, #tpu.memory_space<hbm>>) dst(%arg37 : memref<128xi32, #tpu.memory_space<vmem>>)
        %dma_wait3A_401 = arith.constant 1 : i32
        %dma_wait3A_402 = arith.constant 0 : i32
        %dma_wait3A_403 = arith.constant 0 : i32
        %dma_wait3A_404 = tpu.memref_slice %arg2[%dma_wait3A_401, %dma_wait3A_402, %dma_wait3A_403] : memref<2x2560x128xi32, #tpu.memory_space<hbm>> -> memref<1x1x128xi32, #tpu.memory_space<hbm>>
        %dma_wait3A_405 = tpu.memref_squeeze %dma_wait3A_404 : memref<1x1x128xi32, #tpu.memory_space<hbm>> -> memref<128xi32, #tpu.memory_space<hbm>>
        %dma_wait3A_406 = arith.constant 0 : i32
        %dma_wait3A_407 = tpu.memref_slice %arg2[%dma_wait3A_401, %dma_wait3A_402, %dma_wait3A_406] : memref<2x2560x128xi32, #tpu.memory_space<hbm>> -> memref<1x1x128xi32, #tpu.memory_space<hbm>>
        %dma_wait3A_408 = tpu.memref_squeeze %dma_wait3A_407 : memref<1x1x128xi32, #tpu.memory_space<hbm>> -> memref<128xi32, #tpu.memory_space<hbm>>
        tpu.wait_dma2 semaphore(%arg29 : memref<!tpu.dma_semaphore, #tpu.memory_space<semaphore_mem>>) src(%dma_wait3A_408 : memref<128xi32, #tpu.memory_space<hbm>>) dst(%arg17 : memref<128xi32, #tpu.memory_space<vmem>>)
        %dma_start3A_409 = arith.constant 0 : i32
        %dma_start3A_410 = arith.constant 0 : i32
        %dma_start3A_411 = tpu.memref_slice %arg3[%dma_start3A_409, %dma_start3A_410] : memref<10112x128xbf16, #tpu.memory_space<hbm>> -> memref<10112x128xbf16, #tpu.memory_space<hbm>>
        tpu.enqueue_indirect_dma source(%dma_start3A_411 : memref<10112x128xbf16, #tpu.memory_space<hbm>>) target(%arg9 : memref<128x128xbf16, #tpu.memory_space<vmem>>) offsets(%arg37 : memref<128xi32, #tpu.memory_space<vmem>>) semaphore(%arg21 : memref<!tpu.dma_semaphore, #tpu.memory_space<semaphore_mem>>)
      } else {
      }
      %mul3A_293 = arith.constant 8 : i32
      %mul3A_294 = arith.muli %mul3A_293, %scan3A_199 : i32
      %add3A_295 = arith.constant 4 : i32
      %add3A_296 = arith.addi %mul3A_294, %add3A_295 : i32
      %dma_wait3A_297 = arith.constant 0 : i32
      %dma_wait3A_298 = arith.constant 0 : i32
      %dma_wait3A_299 = tpu.memref_slice %arg3[%dma_wait3A_297, %dma_wait3A_298] : memref<10112x128xbf16, #tpu.memory_space<hbm>> -> memref<10112x128xbf16, #tpu.memory_space<hbm>>
      tpu.wait_indirect_dma semaphore(%arg19 : memref<!tpu.dma_semaphore, #tpu.memory_space<semaphore_mem>>) src(%dma_wait3A_299 : memref<10112x128xbf16, #tpu.memory_space<hbm>>) dst(%arg7 : memref<128x128xbf16, #tpu.memory_space<vmem>>)
      %dma_start3A_300 = arith.constant 0 : i32
      %dma_start3A_301 = arith.constant 0 : i32
      %dma_start3A_302 = tpu.memref_slice %arg6[%dma_start3A_300, %dma_start3A_301] : memref<10112x128xbf16, #tpu.memory_space<vmem_shared>> -> memref<10112x128xbf16, #tpu.memory_space<vmem_shared>>
      tpu.enqueue_indirect_dma source(%arg7 : memref<128x128xbf16, #tpu.memory_space<vmem>>) target(%dma_start3A_302 : memref<10112x128xbf16, #tpu.memory_space<vmem_shared>>) offsets(%arg15 : memref<128xi32, #tpu.memory_space<vmem>>) semaphore(%arg39 : memref<!tpu.dma_semaphore, #tpu.memory_space<semaphore_mem>>) {add = true}
      %add3A_303 = arith.constant 4 : i32
      %add3A_304 = arith.addi %add3A_296, %add3A_303 : i32
      %lt3A_305 = arith.constant 80 : i32
      %lt3A_306 = arith.cmpi slt, %add3A_304, %lt3A_305 : i32
      %convert_element_type3A_307 = arith.extui %lt3A_306 : i1 to i32
      %cond3A_308 = arith.constant 0 : i32
      %cond3A_309 = arith.cmpi ne, %convert_element_type3A_307, %cond3A_308 : i32
      scf.if %cond3A_309 {
        %add3A_389 = arith.constant 4 : i32
        %add3A_390 = arith.addi %add3A_296, %add3A_389 : i32
        %mul3A_391 = arith.constant 80 : i32
        %mul3A_392 = arith.muli %add3A, %mul3A_391 : i32
        %add3A_393 = arith.addi %mul3A_392, %add3A_390 : i32
        %dma_start3A_394 = arith.constant 0 : i32
        %dma_start3A_395 = arith.constant 0 : i32
        %dma_start3A_396 = tpu.memref_slice %arg2[%dma_start3A_394, %add3A_393, %dma_start3A_395] : memref<2x2560x128xi32, #tpu.memory_space<hbm>> -> memref<1x1x128xi32, #tpu.memory_space<hbm>>
        %dma_start3A_397 = tpu.memref_squeeze %dma_start3A_396 : memref<1x1x128xi32, #tpu.memory_space<hbm>> -> memref<128xi32, #tpu.memory_space<hbm>>
        %dma_start3A_398 = arith.constant 0 : i32
        %dma_start3A_399 = tpu.memref_slice %arg2[%dma_start3A_394, %add3A_393, %dma_start3A_398] : memref<2x2560x128xi32, #tpu.memory_space<hbm>> -> memref<1x1x128xi32, #tpu.memory_space<hbm>>
        %dma_start3A_400 = tpu.memref_squeeze %dma_start3A_399 : memref<1x1x128xi32, #tpu.memory_space<hbm>> -> memref<128xi32, #tpu.memory_space<hbm>>
        tpu.enqueue_dma source(%dma_start3A_400 : memref<128xi32, #tpu.memory_space<hbm>>) target(%arg31 : memref<128xi32, #tpu.memory_space<vmem>>) target_semaphore(%arg23 : memref<!tpu.dma_semaphore, #tpu.memory_space<semaphore_mem>>)
        %mul3A_401 = arith.constant 80 : i32
        %mul3A_402 = arith.muli %add3A, %mul3A_401 : i32
        %add3A_403 = arith.addi %mul3A_402, %add3A_390 : i32
        %dma_start3A_404 = arith.constant 1 : i32
        %dma_start3A_405 = arith.constant 0 : i32
        %dma_start3A_406 = tpu.memref_slice %arg2[%dma_start3A_404, %add3A_403, %dma_start3A_405] : memref<2x2560x128xi32, #tpu.memory_space<hbm>> -> memref<1x1x128xi32, #tpu.memory_space<hbm>>
        %dma_start3A_407 = tpu.memref_squeeze %dma_start3A_406 : memref<1x1x128xi32, #tpu.memory_space<hbm>> -> memref<128xi32, #tpu.memory_space<hbm>>
        %dma_start3A_408 = arith.constant 0 : i32
        %dma_start3A_409 = tpu.memref_slice %arg2[%dma_start3A_404, %add3A_403, %dma_start3A_408] : memref<2x2560x128xi32, #tpu.memory_space<hbm>> -> memref<1x1x128xi32, #tpu.memory_space<hbm>>
        %dma_start3A_410 = tpu.memref_squeeze %dma_start3A_409 : memref<1x1x128xi32, #tpu.memory_space<hbm>> -> memref<128xi32, #tpu.memory_space<hbm>>
        tpu.enqueue_dma source(%dma_start3A_410 : memref<128xi32, #tpu.memory_space<hbm>>) target(%arg11 : memref<128xi32, #tpu.memory_space<vmem>>) target_semaphore(%arg23 : memref<!tpu.dma_semaphore, #tpu.memory_space<semaphore_mem>>)
      } else {
      }
      %add3A_310 = arith.constant 3 : i32
      %add3A_311 = arith.addi %add3A_296, %add3A_310 : i32
      %lt3A_312 = arith.constant 80 : i32
      %lt3A_313 = arith.cmpi slt, %add3A_311, %lt3A_312 : i32
      %convert_element_type3A_314 = arith.extui %lt3A_313 : i1 to i32
      %cond3A_315 = arith.constant 0 : i32
      %cond3A_316 = arith.cmpi ne, %convert_element_type3A_314, %cond3A_315 : i32
      scf.if %cond3A_316 {
        %ge3A = arith.constant 1 : i32
        %ge3A_389 = arith.cmpi sge, %add3A_296, %ge3A : i32
        %convert_element_type3A_390 = arith.extui %ge3A_389 : i1 to i32
        %cond3A_391 = arith.constant 0 : i32
        %cond3A_392 = arith.cmpi ne, %convert_element_type3A_390, %cond3A_391 : i32
        scf.if %cond3A_392 {
          %dma_wait3A_412 = arith.constant 0 : i32
          %dma_wait3A_413 = arith.constant 0 : i32
          %dma_wait3A_414 = tpu.memref_slice %arg6[%dma_wait3A_412, %dma_wait3A_413] : memref<10112x128xbf16, #tpu.memory_space<vmem_shared>> -> memref<10112x128xbf16, #tpu.memory_space<vmem_shared>>
          tpu.wait_indirect_dma semaphore(%arg42 : memref<!tpu.dma_semaphore, #tpu.memory_space<semaphore_mem>>) src(%arg10 : memref<128x128xbf16, #tpu.memory_space<vmem>>) dst(%dma_wait3A_414 : memref<10112x128xbf16, #tpu.memory_space<vmem_shared>>)
        } else {
        }
        %dma_wait3A_393 = arith.constant 0 : i32
        %dma_wait3A_394 = arith.constant 0 : i32
        %dma_wait3A_395 = arith.constant 0 : i32
        %dma_wait3A_396 = tpu.memref_slice %arg2[%dma_wait3A_393, %dma_wait3A_394, %dma_wait3A_395] : memref<2x2560x128xi32, #tpu.memory_space<hbm>> -> memref<1x1x128xi32, #tpu.memory_space<hbm>>
        %dma_wait3A_397 = tpu.memref_squeeze %dma_wait3A_396 : memref<1x1x128xi32, #tpu.memory_space<hbm>> -> memref<128xi32, #tpu.memory_space<hbm>>
        %dma_wait3A_398 = arith.constant 0 : i32
        %dma_wait3A_399 = tpu.memref_slice %arg2[%dma_wait3A_393, %dma_wait3A_394, %dma_wait3A_398] : memref<2x2560x128xi32, #tpu.memory_space<hbm>> -> memref<1x1x128xi32, #tpu.memory_space<hbm>>
        %dma_wait3A_400 = tpu.memref_squeeze %dma_wait3A_399 : memref<1x1x128xi32, #tpu.memory_space<hbm>> -> memref<128xi32, #tpu.memory_space<hbm>>
        tpu.wait_dma2 semaphore(%arg30 : memref<!tpu.dma_semaphore, #tpu.memory_space<semaphore_mem>>) src(%dma_wait3A_400 : memref<128xi32, #tpu.memory_space<hbm>>) dst(%arg38 : memref<128xi32, #tpu.memory_space<vmem>>)
        %dma_wait3A_401 = arith.constant 1 : i32
        %dma_wait3A_402 = arith.constant 0 : i32
        %dma_wait3A_403 = arith.constant 0 : i32
        %dma_wait3A_404 = tpu.memref_slice %arg2[%dma_wait3A_401, %dma_wait3A_402, %dma_wait3A_403] : memref<2x2560x128xi32, #tpu.memory_space<hbm>> -> memref<1x1x128xi32, #tpu.memory_space<hbm>>
        %dma_wait3A_405 = tpu.memref_squeeze %dma_wait3A_404 : memref<1x1x128xi32, #tpu.memory_space<hbm>> -> memref<128xi32, #tpu.memory_space<hbm>>
        %dma_wait3A_406 = arith.constant 0 : i32
        %dma_wait3A_407 = tpu.memref_slice %arg2[%dma_wait3A_401, %dma_wait3A_402, %dma_wait3A_406] : memref<2x2560x128xi32, #tpu.memory_space<hbm>> -> memref<1x1x128xi32, #tpu.memory_space<hbm>>
        %dma_wait3A_408 = tpu.memref_squeeze %dma_wait3A_407 : memref<1x1x128xi32, #tpu.memory_space<hbm>> -> memref<128xi32, #tpu.memory_space<hbm>>
        tpu.wait_dma2 semaphore(%arg30 : memref<!tpu.dma_semaphore, #tpu.memory_space<semaphore_mem>>) src(%dma_wait3A_408 : memref<128xi32, #tpu.memory_space<hbm>>) dst(%arg18 : memref<128xi32, #tpu.memory_space<vmem>>)
        %dma_start3A_409 = arith.constant 0 : i32
        %dma_start3A_410 = arith.constant 0 : i32
        %dma_start3A_411 = tpu.memref_slice %arg3[%dma_start3A_409, %dma_start3A_410] : memref<10112x128xbf16, #tpu.memory_space<hbm>> -> memref<10112x128xbf16, #tpu.memory_space<hbm>>
        tpu.enqueue_indirect_dma source(%dma_start3A_411 : memref<10112x128xbf16, #tpu.memory_space<hbm>>) target(%arg10 : memref<128x128xbf16, #tpu.memory_space<vmem>>) offsets(%arg38 : memref<128xi32, #tpu.memory_space<vmem>>) semaphore(%arg22 : memref<!tpu.dma_semaphore, #tpu.memory_space<semaphore_mem>>)
      } else {
      }
      %mul3A_317 = arith.constant 8 : i32
      %mul3A_318 = arith.muli %mul3A_317, %scan3A_199 : i32
      %add3A_319 = arith.constant 5 : i32
      %add3A_320 = arith.addi %mul3A_318, %add3A_319 : i32
      %dma_wait3A_321 = arith.constant 0 : i32
      %dma_wait3A_322 = arith.constant 0 : i32
      %dma_wait3A_323 = tpu.memref_slice %arg3[%dma_wait3A_321, %dma_wait3A_322] : memref<10112x128xbf16, #tpu.memory_space<hbm>> -> memref<10112x128xbf16, #tpu.memory_space<hbm>>
      tpu.wait_indirect_dma semaphore(%arg20 : memref<!tpu.dma_semaphore, #tpu.memory_space<semaphore_mem>>) src(%dma_wait3A_323 : memref<10112x128xbf16, #tpu.memory_space<hbm>>) dst(%arg8 : memref<128x128xbf16, #tpu.memory_space<vmem>>)
      %dma_start3A_324 = arith.constant 0 : i32
      %dma_start3A_325 = arith.constant 0 : i32
      %dma_start3A_326 = tpu.memref_slice %arg6[%dma_start3A_324, %dma_start3A_325] : memref<10112x128xbf16, #tpu.memory_space<vmem_shared>> -> memref<10112x128xbf16, #tpu.memory_space<vmem_shared>>
      tpu.enqueue_indirect_dma source(%arg8 : memref<128x128xbf16, #tpu.memory_space<vmem>>) target(%dma_start3A_326 : memref<10112x128xbf16, #tpu.memory_space<vmem_shared>>) offsets(%arg16 : memref<128xi32, #tpu.memory_space<vmem>>) semaphore(%arg40 : memref<!tpu.dma_semaphore, #tpu.memory_space<semaphore_mem>>) {add = true}
      %add3A_327 = arith.constant 4 : i32
      %add3A_328 = arith.addi %add3A_320, %add3A_327 : i32
      %lt3A_329 = arith.constant 80 : i32
      %lt3A_330 = arith.cmpi slt, %add3A_328, %lt3A_329 : i32
      %convert_element_type3A_331 = arith.extui %lt3A_330 : i1 to i32
      %cond3A_332 = arith.constant 0 : i32
      %cond3A_333 = arith.cmpi ne, %convert_element_type3A_331, %cond3A_332 : i32
      scf.if %cond3A_333 {
        %add3A_389 = arith.constant 4 : i32
        %add3A_390 = arith.addi %add3A_320, %add3A_389 : i32
        %mul3A_391 = arith.constant 80 : i32
        %mul3A_392 = arith.muli %add3A, %mul3A_391 : i32
        %add3A_393 = arith.addi %mul3A_392, %add3A_390 : i32
        %dma_start3A_394 = arith.constant 0 : i32
        %dma_start3A_395 = arith.constant 0 : i32
        %dma_start3A_396 = tpu.memref_slice %arg2[%dma_start3A_394, %add3A_393, %dma_start3A_395] : memref<2x2560x128xi32, #tpu.memory_space<hbm>> -> memref<1x1x128xi32, #tpu.memory_space<hbm>>
        %dma_start3A_397 = tpu.memref_squeeze %dma_start3A_396 : memref<1x1x128xi32, #tpu.memory_space<hbm>> -> memref<128xi32, #tpu.memory_space<hbm>>
        %dma_start3A_398 = arith.constant 0 : i32
        %dma_start3A_399 = tpu.memref_slice %arg2[%dma_start3A_394, %add3A_393, %dma_start3A_398] : memref<2x2560x128xi32, #tpu.memory_space<hbm>> -> memref<1x1x128xi32, #tpu.memory_space<hbm>>
        %dma_start3A_400 = tpu.memref_squeeze %dma_start3A_399 : memref<1x1x128xi32, #tpu.memory_space<hbm>> -> memref<128xi32, #tpu.memory_space<hbm>>
        tpu.enqueue_dma source(%dma_start3A_400 : memref<128xi32, #tpu.memory_space<hbm>>) target(%arg32 : memref<128xi32, #tpu.memory_space<vmem>>) target_semaphore(%arg24 : memref<!tpu.dma_semaphore, #tpu.memory_space<semaphore_mem>>)
        %mul3A_401 = arith.constant 80 : i32
        %mul3A_402 = arith.muli %add3A, %mul3A_401 : i32
        %add3A_403 = arith.addi %mul3A_402, %add3A_390 : i32
        %dma_start3A_404 = arith.constant 1 : i32
        %dma_start3A_405 = arith.constant 0 : i32
        %dma_start3A_406 = tpu.memref_slice %arg2[%dma_start3A_404, %add3A_403, %dma_start3A_405] : memref<2x2560x128xi32, #tpu.memory_space<hbm>> -> memref<1x1x128xi32, #tpu.memory_space<hbm>>
        %dma_start3A_407 = tpu.memref_squeeze %dma_start3A_406 : memref<1x1x128xi32, #tpu.memory_space<hbm>> -> memref<128xi32, #tpu.memory_space<hbm>>
        %dma_start3A_408 = arith.constant 0 : i32
        %dma_start3A_409 = tpu.memref_slice %arg2[%dma_start3A_404, %add3A_403, %dma_start3A_408] : memref<2x2560x128xi32, #tpu.memory_space<hbm>> -> memref<1x1x128xi32, #tpu.memory_space<hbm>>
        %dma_start3A_410 = tpu.memref_squeeze %dma_start3A_409 : memref<1x1x128xi32, #tpu.memory_space<hbm>> -> memref<128xi32, #tpu.memory_space<hbm>>
        tpu.enqueue_dma source(%dma_start3A_410 : memref<128xi32, #tpu.memory_space<hbm>>) target(%arg12 : memref<128xi32, #tpu.memory_space<vmem>>) target_semaphore(%arg24 : memref<!tpu.dma_semaphore, #tpu.memory_space<semaphore_mem>>)
      } else {
      }
      %add3A_334 = arith.constant 3 : i32
      %add3A_335 = arith.addi %add3A_320, %add3A_334 : i32
      %lt3A_336 = arith.constant 80 : i32
      %lt3A_337 = arith.cmpi slt, %add3A_335, %lt3A_336 : i32
      %convert_element_type3A_338 = arith.extui %lt3A_337 : i1 to i32
      %cond3A_339 = arith.constant 0 : i32
      %cond3A_340 = arith.cmpi ne, %convert_element_type3A_338, %cond3A_339 : i32
      scf.if %cond3A_340 {
        %ge3A = arith.constant 1 : i32
        %ge3A_389 = arith.cmpi sge, %add3A_320, %ge3A : i32
        %convert_element_type3A_390 = arith.extui %ge3A_389 : i1 to i32
        %cond3A_391 = arith.constant 0 : i32
        %cond3A_392 = arith.cmpi ne, %convert_element_type3A_390, %cond3A_391 : i32
        scf.if %cond3A_392 {
          %dma_wait3A_412 = arith.constant 0 : i32
          %dma_wait3A_413 = arith.constant 0 : i32
          %dma_wait3A_414 = tpu.memref_slice %arg6[%dma_wait3A_412, %dma_wait3A_413] : memref<10112x128xbf16, #tpu.memory_space<vmem_shared>> -> memref<10112x128xbf16, #tpu.memory_space<vmem_shared>>
          tpu.wait_indirect_dma semaphore(%arg39 : memref<!tpu.dma_semaphore, #tpu.memory_space<semaphore_mem>>) src(%arg7 : memref<128x128xbf16, #tpu.memory_space<vmem>>) dst(%dma_wait3A_414 : memref<10112x128xbf16, #tpu.memory_space<vmem_shared>>)
        } else {
        }
        %dma_wait3A_393 = arith.constant 0 : i32
        %dma_wait3A_394 = arith.constant 0 : i32
        %dma_wait3A_395 = arith.constant 0 : i32
        %dma_wait3A_396 = tpu.memref_slice %arg2[%dma_wait3A_393, %dma_wait3A_394, %dma_wait3A_395] : memref<2x2560x128xi32, #tpu.memory_space<hbm>> -> memref<1x1x128xi32, #tpu.memory_space<hbm>>
        %dma_wait3A_397 = tpu.memref_squeeze %dma_wait3A_396 : memref<1x1x128xi32, #tpu.memory_space<hbm>> -> memref<128xi32, #tpu.memory_space<hbm>>
        %dma_wait3A_398 = arith.constant 0 : i32
        %dma_wait3A_399 = tpu.memref_slice %arg2[%dma_wait3A_393, %dma_wait3A_394, %dma_wait3A_398] : memref<2x2560x128xi32, #tpu.memory_space<hbm>> -> memref<1x1x128xi32, #tpu.memory_space<hbm>>
        %dma_wait3A_400 = tpu.memref_squeeze %dma_wait3A_399 : memref<1x1x128xi32, #tpu.memory_space<hbm>> -> memref<128xi32, #tpu.memory_space<hbm>>
        tpu.wait_dma2 semaphore(%arg23 : memref<!tpu.dma_semaphore, #tpu.memory_space<semaphore_mem>>) src(%dma_wait3A_400 : memref<128xi32, #tpu.memory_space<hbm>>) dst(%arg31 : memref<128xi32, #tpu.memory_space<vmem>>)
        %dma_wait3A_401 = arith.constant 1 : i32
        %dma_wait3A_402 = arith.constant 0 : i32
        %dma_wait3A_403 = arith.constant 0 : i32
        %dma_wait3A_404 = tpu.memref_slice %arg2[%dma_wait3A_401, %dma_wait3A_402, %dma_wait3A_403] : memref<2x2560x128xi32, #tpu.memory_space<hbm>> -> memref<1x1x128xi32, #tpu.memory_space<hbm>>
        %dma_wait3A_405 = tpu.memref_squeeze %dma_wait3A_404 : memref<1x1x128xi32, #tpu.memory_space<hbm>> -> memref<128xi32, #tpu.memory_space<hbm>>
        %dma_wait3A_406 = arith.constant 0 : i32
        %dma_wait3A_407 = tpu.memref_slice %arg2[%dma_wait3A_401, %dma_wait3A_402, %dma_wait3A_406] : memref<2x2560x128xi32, #tpu.memory_space<hbm>> -> memref<1x1x128xi32, #tpu.memory_space<hbm>>
        %dma_wait3A_408 = tpu.memref_squeeze %dma_wait3A_407 : memref<1x1x128xi32, #tpu.memory_space<hbm>> -> memref<128xi32, #tpu.memory_space<hbm>>
        tpu.wait_dma2 semaphore(%arg23 : memref<!tpu.dma_semaphore, #tpu.memory_space<semaphore_mem>>) src(%dma_wait3A_408 : memref<128xi32, #tpu.memory_space<hbm>>) dst(%arg11 : memref<128xi32, #tpu.memory_space<vmem>>)
        %dma_start3A_409 = arith.constant 0 : i32
        %dma_start3A_410 = arith.constant 0 : i32
        %dma_start3A_411 = tpu.memref_slice %arg3[%dma_start3A_409, %dma_start3A_410] : memref<10112x128xbf16, #tpu.memory_space<hbm>> -> memref<10112x128xbf16, #tpu.memory_space<hbm>>
        tpu.enqueue_indirect_dma source(%dma_start3A_411 : memref<10112x128xbf16, #tpu.memory_space<hbm>>) target(%arg7 : memref<128x128xbf16, #tpu.memory_space<vmem>>) offsets(%arg31 : memref<128xi32, #tpu.memory_space<vmem>>) semaphore(%arg19 : memref<!tpu.dma_semaphore, #tpu.memory_space<semaphore_mem>>)
      } else {
      }
      %mul3A_341 = arith.constant 8 : i32
      %mul3A_342 = arith.muli %mul3A_341, %scan3A_199 : i32
      %add3A_343 = arith.constant 6 : i32
      %add3A_344 = arith.addi %mul3A_342, %add3A_343 : i32
      %dma_wait3A_345 = arith.constant 0 : i32
      %dma_wait3A_346 = arith.constant 0 : i32
      %dma_wait3A_347 = tpu.memref_slice %arg3[%dma_wait3A_345, %dma_wait3A_346] : memref<10112x128xbf16, #tpu.memory_space<hbm>> -> memref<10112x128xbf16, #tpu.memory_space<hbm>>
      tpu.wait_indirect_dma semaphore(%arg21 : memref<!tpu.dma_semaphore, #tpu.memory_space<semaphore_mem>>) src(%dma_wait3A_347 : memref<10112x128xbf16, #tpu.memory_space<hbm>>) dst(%arg9 : memref<128x128xbf16, #tpu.memory_space<vmem>>)
      %dma_start3A_348 = arith.constant 0 : i32
      %dma_start3A_349 = arith.constant 0 : i32
      %dma_start3A_350 = tpu.memref_slice %arg6[%dma_start3A_348, %dma_start3A_349] : memref<10112x128xbf16, #tpu.memory_space<vmem_shared>> -> memref<10112x128xbf16, #tpu.memory_space<vmem_shared>>
      tpu.enqueue_indirect_dma source(%arg9 : memref<128x128xbf16, #tpu.memory_space<vmem>>) target(%dma_start3A_350 : memref<10112x128xbf16, #tpu.memory_space<vmem_shared>>) offsets(%arg17 : memref<128xi32, #tpu.memory_space<vmem>>) semaphore(%arg41 : memref<!tpu.dma_semaphore, #tpu.memory_space<semaphore_mem>>) {add = true}
      %add3A_351 = arith.constant 4 : i32
      %add3A_352 = arith.addi %add3A_344, %add3A_351 : i32
      %lt3A_353 = arith.constant 80 : i32
      %lt3A_354 = arith.cmpi slt, %add3A_352, %lt3A_353 : i32
      %convert_element_type3A_355 = arith.extui %lt3A_354 : i1 to i32
      %cond3A_356 = arith.constant 0 : i32
      %cond3A_357 = arith.cmpi ne, %convert_element_type3A_355, %cond3A_356 : i32
      scf.if %cond3A_357 {
        %add3A_389 = arith.constant 4 : i32
        %add3A_390 = arith.addi %add3A_344, %add3A_389 : i32
        %mul3A_391 = arith.constant 80 : i32
        %mul3A_392 = arith.muli %add3A, %mul3A_391 : i32
        %add3A_393 = arith.addi %mul3A_392, %add3A_390 : i32
        %dma_start3A_394 = arith.constant 0 : i32
        %dma_start3A_395 = arith.constant 0 : i32
        %dma_start3A_396 = tpu.memref_slice %arg2[%dma_start3A_394, %add3A_393, %dma_start3A_395] : memref<2x2560x128xi32, #tpu.memory_space<hbm>> -> memref<1x1x128xi32, #tpu.memory_space<hbm>>
        %dma_start3A_397 = tpu.memref_squeeze %dma_start3A_396 : memref<1x1x128xi32, #tpu.memory_space<hbm>> -> memref<128xi32, #tpu.memory_space<hbm>>
        %dma_start3A_398 = arith.constant 0 : i32
        %dma_start3A_399 = tpu.memref_slice %arg2[%dma_start3A_394, %add3A_393, %dma_start3A_398] : memref<2x2560x128xi32, #tpu.memory_space<hbm>> -> memref<1x1x128xi32, #tpu.memory_space<hbm>>
        %dma_start3A_400 = tpu.memref_squeeze %dma_start3A_399 : memref<1x1x128xi32, #tpu.memory_space<hbm>> -> memref<128xi32, #tpu.memory_space<hbm>>
        tpu.enqueue_dma source(%dma_start3A_400 : memref<128xi32, #tpu.memory_space<hbm>>) target(%arg33 : memref<128xi32, #tpu.memory_space<vmem>>) target_semaphore(%arg25 : memref<!tpu.dma_semaphore, #tpu.memory_space<semaphore_mem>>)
        %mul3A_401 = arith.constant 80 : i32
        %mul3A_402 = arith.muli %add3A, %mul3A_401 : i32
        %add3A_403 = arith.addi %mul3A_402, %add3A_390 : i32
        %dma_start3A_404 = arith.constant 1 : i32
        %dma_start3A_405 = arith.constant 0 : i32
        %dma_start3A_406 = tpu.memref_slice %arg2[%dma_start3A_404, %add3A_403, %dma_start3A_405] : memref<2x2560x128xi32, #tpu.memory_space<hbm>> -> memref<1x1x128xi32, #tpu.memory_space<hbm>>
        %dma_start3A_407 = tpu.memref_squeeze %dma_start3A_406 : memref<1x1x128xi32, #tpu.memory_space<hbm>> -> memref<128xi32, #tpu.memory_space<hbm>>
        %dma_start3A_408 = arith.constant 0 : i32
        %dma_start3A_409 = tpu.memref_slice %arg2[%dma_start3A_404, %add3A_403, %dma_start3A_408] : memref<2x2560x128xi32, #tpu.memory_space<hbm>> -> memref<1x1x128xi32, #tpu.memory_space<hbm>>
        %dma_start3A_410 = tpu.memref_squeeze %dma_start3A_409 : memref<1x1x128xi32, #tpu.memory_space<hbm>> -> memref<128xi32, #tpu.memory_space<hbm>>
        tpu.enqueue_dma source(%dma_start3A_410 : memref<128xi32, #tpu.memory_space<hbm>>) target(%arg13 : memref<128xi32, #tpu.memory_space<vmem>>) target_semaphore(%arg25 : memref<!tpu.dma_semaphore, #tpu.memory_space<semaphore_mem>>)
      } else {
      }
      %add3A_358 = arith.constant 3 : i32
      %add3A_359 = arith.addi %add3A_344, %add3A_358 : i32
      %lt3A_360 = arith.constant 80 : i32
      %lt3A_361 = arith.cmpi slt, %add3A_359, %lt3A_360 : i32
      %convert_element_type3A_362 = arith.extui %lt3A_361 : i1 to i32
      %cond3A_363 = arith.constant 0 : i32
      %cond3A_364 = arith.cmpi ne, %convert_element_type3A_362, %cond3A_363 : i32
      scf.if %cond3A_364 {
        %ge3A = arith.constant 1 : i32
        %ge3A_389 = arith.cmpi sge, %add3A_344, %ge3A : i32
        %convert_element_type3A_390 = arith.extui %ge3A_389 : i1 to i32
        %cond3A_391 = arith.constant 0 : i32
        %cond3A_392 = arith.cmpi ne, %convert_element_type3A_390, %cond3A_391 : i32
        scf.if %cond3A_392 {
          %dma_wait3A_412 = arith.constant 0 : i32
          %dma_wait3A_413 = arith.constant 0 : i32
          %dma_wait3A_414 = tpu.memref_slice %arg6[%dma_wait3A_412, %dma_wait3A_413] : memref<10112x128xbf16, #tpu.memory_space<vmem_shared>> -> memref<10112x128xbf16, #tpu.memory_space<vmem_shared>>
          tpu.wait_indirect_dma semaphore(%arg40 : memref<!tpu.dma_semaphore, #tpu.memory_space<semaphore_mem>>) src(%arg8 : memref<128x128xbf16, #tpu.memory_space<vmem>>) dst(%dma_wait3A_414 : memref<10112x128xbf16, #tpu.memory_space<vmem_shared>>)
        } else {
        }
        %dma_wait3A_393 = arith.constant 0 : i32
        %dma_wait3A_394 = arith.constant 0 : i32
        %dma_wait3A_395 = arith.constant 0 : i32
        %dma_wait3A_396 = tpu.memref_slice %arg2[%dma_wait3A_393, %dma_wait3A_394, %dma_wait3A_395] : memref<2x2560x128xi32, #tpu.memory_space<hbm>> -> memref<1x1x128xi32, #tpu.memory_space<hbm>>
        %dma_wait3A_397 = tpu.memref_squeeze %dma_wait3A_396 : memref<1x1x128xi32, #tpu.memory_space<hbm>> -> memref<128xi32, #tpu.memory_space<hbm>>
        %dma_wait3A_398 = arith.constant 0 : i32
        %dma_wait3A_399 = tpu.memref_slice %arg2[%dma_wait3A_393, %dma_wait3A_394, %dma_wait3A_398] : memref<2x2560x128xi32, #tpu.memory_space<hbm>> -> memref<1x1x128xi32, #tpu.memory_space<hbm>>
        %dma_wait3A_400 = tpu.memref_squeeze %dma_wait3A_399 : memref<1x1x128xi32, #tpu.memory_space<hbm>> -> memref<128xi32, #tpu.memory_space<hbm>>
        tpu.wait_dma2 semaphore(%arg24 : memref<!tpu.dma_semaphore, #tpu.memory_space<semaphore_mem>>) src(%dma_wait3A_400 : memref<128xi32, #tpu.memory_space<hbm>>) dst(%arg32 : memref<128xi32, #tpu.memory_space<vmem>>)
        %dma_wait3A_401 = arith.constant 1 : i32
        %dma_wait3A_402 = arith.constant 0 : i32
        %dma_wait3A_403 = arith.constant 0 : i32
        %dma_wait3A_404 = tpu.memref_slice %arg2[%dma_wait3A_401, %dma_wait3A_402, %dma_wait3A_403] : memref<2x2560x128xi32, #tpu.memory_space<hbm>> -> memref<1x1x128xi32, #tpu.memory_space<hbm>>
        %dma_wait3A_405 = tpu.memref_squeeze %dma_wait3A_404 : memref<1x1x128xi32, #tpu.memory_space<hbm>> -> memref<128xi32, #tpu.memory_space<hbm>>
        %dma_wait3A_406 = arith.constant 0 : i32
        %dma_wait3A_407 = tpu.memref_slice %arg2[%dma_wait3A_401, %dma_wait3A_402, %dma_wait3A_406] : memref<2x2560x128xi32, #tpu.memory_space<hbm>> -> memref<1x1x128xi32, #tpu.memory_space<hbm>>
        %dma_wait3A_408 = tpu.memref_squeeze %dma_wait3A_407 : memref<1x1x128xi32, #tpu.memory_space<hbm>> -> memref<128xi32, #tpu.memory_space<hbm>>
        tpu.wait_dma2 semaphore(%arg24 : memref<!tpu.dma_semaphore, #tpu.memory_space<semaphore_mem>>) src(%dma_wait3A_408 : memref<128xi32, #tpu.memory_space<hbm>>) dst(%arg12 : memref<128xi32, #tpu.memory_space<vmem>>)
        %dma_start3A_409 = arith.constant 0 : i32
        %dma_start3A_410 = arith.constant 0 : i32
        %dma_start3A_411 = tpu.memref_slice %arg3[%dma_start3A_409, %dma_start3A_410] : memref<10112x128xbf16, #tpu.memory_space<hbm>> -> memref<10112x128xbf16, #tpu.memory_space<hbm>>
        tpu.enqueue_indirect_dma source(%dma_start3A_411 : memref<10112x128xbf16, #tpu.memory_space<hbm>>) target(%arg8 : memref<128x128xbf16, #tpu.memory_space<vmem>>) offsets(%arg32 : memref<128xi32, #tpu.memory_space<vmem>>) semaphore(%arg20 : memref<!tpu.dma_semaphore, #tpu.memory_space<semaphore_mem>>)
      } else {
      }
      %mul3A_365 = arith.constant 8 : i32
      %mul3A_366 = arith.muli %mul3A_365, %scan3A_199 : i32
      %add3A_367 = arith.constant 7 : i32
      %add3A_368 = arith.addi %mul3A_366, %add3A_367 : i32
      %dma_wait3A_369 = arith.constant 0 : i32
      %dma_wait3A_370 = arith.constant 0 : i32
      %dma_wait3A_371 = tpu.memref_slice %arg3[%dma_wait3A_369, %dma_wait3A_370] : memref<10112x128xbf16, #tpu.memory_space<hbm>> -> memref<10112x128xbf16, #tpu.memory_space<hbm>>
      tpu.wait_indirect_dma semaphore(%arg22 : memref<!tpu.dma_semaphore, #tpu.memory_space<semaphore_mem>>) src(%dma_wait3A_371 : memref<10112x128xbf16, #tpu.memory_space<hbm>>) dst(%arg10 : memref<128x128xbf16, #tpu.memory_space<vmem>>)
      %dma_start3A_372 = arith.constant 0 : i32
      %dma_start3A_373 = arith.constant 0 : i32
      %dma_start3A_374 = tpu.memref_slice %arg6[%dma_start3A_372, %dma_start3A_373] : memref<10112x128xbf16, #tpu.memory_space<vmem_shared>> -> memref<10112x128xbf16, #tpu.memory_space<vmem_shared>>
      tpu.enqueue_indirect_dma source(%arg10 : memref<128x128xbf16, #tpu.memory_space<vmem>>) target(%dma_start3A_374 : memref<10112x128xbf16, #tpu.memory_space<vmem_shared>>) offsets(%arg18 : memref<128xi32, #tpu.memory_space<vmem>>) semaphore(%arg42 : memref<!tpu.dma_semaphore, #tpu.memory_space<semaphore_mem>>) {add = true}
      %add3A_375 = arith.constant 4 : i32
      %add3A_376 = arith.addi %add3A_368, %add3A_375 : i32
      %lt3A_377 = arith.constant 80 : i32
      %lt3A_378 = arith.cmpi slt, %add3A_376, %lt3A_377 : i32
      %convert_element_type3A_379 = arith.extui %lt3A_378 : i1 to i32
      %cond3A_380 = arith.constant 0 : i32
      %cond3A_381 = arith.cmpi ne, %convert_element_type3A_379, %cond3A_380 : i32
      scf.if %cond3A_381 {
        %add3A_389 = arith.constant 4 : i32
        %add3A_390 = arith.addi %add3A_368, %add3A_389 : i32
        %mul3A_391 = arith.constant 80 : i32
        %mul3A_392 = arith.muli %add3A, %mul3A_391 : i32
        %add3A_393 = arith.addi %mul3A_392, %add3A_390 : i32
        %dma_start3A_394 = arith.constant 0 : i32
        %dma_start3A_395 = arith.constant 0 : i32
        %dma_start3A_396 = tpu.memref_slice %arg2[%dma_start3A_394, %add3A_393, %dma_start3A_395] : memref<2x2560x128xi32, #tpu.memory_space<hbm>> -> memref<1x1x128xi32, #tpu.memory_space<hbm>>
        %dma_start3A_397 = tpu.memref_squeeze %dma_start3A_396 : memref<1x1x128xi32, #tpu.memory_space<hbm>> -> memref<128xi32, #tpu.memory_space<hbm>>
        %dma_start3A_398 = arith.constant 0 : i32
        %dma_start3A_399 = tpu.memref_slice %arg2[%dma_start3A_394, %add3A_393, %dma_start3A_398] : memref<2x2560x128xi32, #tpu.memory_space<hbm>> -> memref<1x1x128xi32, #tpu.memory_space<hbm>>
        %dma_start3A_400 = tpu.memref_squeeze %dma_start3A_399 : memref<1x1x128xi32, #tpu.memory_space<hbm>> -> memref<128xi32, #tpu.memory_space<hbm>>
        tpu.enqueue_dma source(%dma_start3A_400 : memref<128xi32, #tpu.memory_space<hbm>>) target(%arg34 : memref<128xi32, #tpu.memory_space<vmem>>) target_semaphore(%arg26 : memref<!tpu.dma_semaphore, #tpu.memory_space<semaphore_mem>>)
        %mul3A_401 = arith.constant 80 : i32
        %mul3A_402 = arith.muli %add3A, %mul3A_401 : i32
        %add3A_403 = arith.addi %mul3A_402, %add3A_390 : i32
        %dma_start3A_404 = arith.constant 1 : i32
        %dma_start3A_405 = arith.constant 0 : i32
        %dma_start3A_406 = tpu.memref_slice %arg2[%dma_start3A_404, %add3A_403, %dma_start3A_405] : memref<2x2560x128xi32, #tpu.memory_space<hbm>> -> memref<1x1x128xi32, #tpu.memory_space<hbm>>
        %dma_start3A_407 = tpu.memref_squeeze %dma_start3A_406 : memref<1x1x128xi32, #tpu.memory_space<hbm>> -> memref<128xi32, #tpu.memory_space<hbm>>
        %dma_start3A_408 = arith.constant 0 : i32
        %dma_start3A_409 = tpu.memref_slice %arg2[%dma_start3A_404, %add3A_403, %dma_start3A_408] : memref<2x2560x128xi32, #tpu.memory_space<hbm>> -> memref<1x1x128xi32, #tpu.memory_space<hbm>>
        %dma_start3A_410 = tpu.memref_squeeze %dma_start3A_409 : memref<1x1x128xi32, #tpu.memory_space<hbm>> -> memref<128xi32, #tpu.memory_space<hbm>>
        tpu.enqueue_dma source(%dma_start3A_410 : memref<128xi32, #tpu.memory_space<hbm>>) target(%arg14 : memref<128xi32, #tpu.memory_space<vmem>>) target_semaphore(%arg26 : memref<!tpu.dma_semaphore, #tpu.memory_space<semaphore_mem>>)
      } else {
      }
      %add3A_382 = arith.constant 3 : i32
      %add3A_383 = arith.addi %add3A_368, %add3A_382 : i32
      %lt3A_384 = arith.constant 80 : i32
      %lt3A_385 = arith.cmpi slt, %add3A_383, %lt3A_384 : i32
      %convert_element_type3A_386 = arith.extui %lt3A_385 : i1 to i32
      %cond3A_387 = arith.constant 0 : i32
      %cond3A_388 = arith.cmpi ne, %convert_element_type3A_386, %cond3A_387 : i32
      scf.if %cond3A_388 {
        %ge3A = arith.constant 1 : i32
        %ge3A_389 = arith.cmpi sge, %add3A_368, %ge3A : i32
        %convert_element_type3A_390 = arith.extui %ge3A_389 : i1 to i32
        %cond3A_391 = arith.constant 0 : i32
        %cond3A_392 = arith.cmpi ne, %convert_element_type3A_390, %cond3A_391 : i32
        scf.if %cond3A_392 {
          %dma_wait3A_412 = arith.constant 0 : i32
          %dma_wait3A_413 = arith.constant 0 : i32
          %dma_wait3A_414 = tpu.memref_slice %arg6[%dma_wait3A_412, %dma_wait3A_413] : memref<10112x128xbf16, #tpu.memory_space<vmem_shared>> -> memref<10112x128xbf16, #tpu.memory_space<vmem_shared>>
          tpu.wait_indirect_dma semaphore(%arg41 : memref<!tpu.dma_semaphore, #tpu.memory_space<semaphore_mem>>) src(%arg9 : memref<128x128xbf16, #tpu.memory_space<vmem>>) dst(%dma_wait3A_414 : memref<10112x128xbf16, #tpu.memory_space<vmem_shared>>)
        } else {
        }
        %dma_wait3A_393 = arith.constant 0 : i32
        %dma_wait3A_394 = arith.constant 0 : i32
        %dma_wait3A_395 = arith.constant 0 : i32
        %dma_wait3A_396 = tpu.memref_slice %arg2[%dma_wait3A_393, %dma_wait3A_394, %dma_wait3A_395] : memref<2x2560x128xi32, #tpu.memory_space<hbm>> -> memref<1x1x128xi32, #tpu.memory_space<hbm>>
        %dma_wait3A_397 = tpu.memref_squeeze %dma_wait3A_396 : memref<1x1x128xi32, #tpu.memory_space<hbm>> -> memref<128xi32, #tpu.memory_space<hbm>>
        %dma_wait3A_398 = arith.constant 0 : i32
        %dma_wait3A_399 = tpu.memref_slice %arg2[%dma_wait3A_393, %dma_wait3A_394, %dma_wait3A_398] : memref<2x2560x128xi32, #tpu.memory_space<hbm>> -> memref<1x1x128xi32, #tpu.memory_space<hbm>>
        %dma_wait3A_400 = tpu.memref_squeeze %dma_wait3A_399 : memref<1x1x128xi32, #tpu.memory_space<hbm>> -> memref<128xi32, #tpu.memory_space<hbm>>
        tpu.wait_dma2 semaphore(%arg25 : memref<!tpu.dma_semaphore, #tpu.memory_space<semaphore_mem>>) src(%dma_wait3A_400 : memref<128xi32, #tpu.memory_space<hbm>>) dst(%arg33 : memref<128xi32, #tpu.memory_space<vmem>>)
        %dma_wait3A_401 = arith.constant 1 : i32
        %dma_wait3A_402 = arith.constant 0 : i32
        %dma_wait3A_403 = arith.constant 0 : i32
        %dma_wait3A_404 = tpu.memref_slice %arg2[%dma_wait3A_401, %dma_wait3A_402, %dma_wait3A_403] : memref<2x2560x128xi32, #tpu.memory_space<hbm>> -> memref<1x1x128xi32, #tpu.memory_space<hbm>>
        %dma_wait3A_405 = tpu.memref_squeeze %dma_wait3A_404 : memref<1x1x128xi32, #tpu.memory_space<hbm>> -> memref<128xi32, #tpu.memory_space<hbm>>
        %dma_wait3A_406 = arith.constant 0 : i32
        %dma_wait3A_407 = tpu.memref_slice %arg2[%dma_wait3A_401, %dma_wait3A_402, %dma_wait3A_406] : memref<2x2560x128xi32, #tpu.memory_space<hbm>> -> memref<1x1x128xi32, #tpu.memory_space<hbm>>
        %dma_wait3A_408 = tpu.memref_squeeze %dma_wait3A_407 : memref<1x1x128xi32, #tpu.memory_space<hbm>> -> memref<128xi32, #tpu.memory_space<hbm>>
        tpu.wait_dma2 semaphore(%arg25 : memref<!tpu.dma_semaphore, #tpu.memory_space<semaphore_mem>>) src(%dma_wait3A_408 : memref<128xi32, #tpu.memory_space<hbm>>) dst(%arg13 : memref<128xi32, #tpu.memory_space<vmem>>)
        %dma_start3A_409 = arith.constant 0 : i32
        %dma_start3A_410 = arith.constant 0 : i32
        %dma_start3A_411 = tpu.memref_slice %arg3[%dma_start3A_409, %dma_start3A_410] : memref<10112x128xbf16, #tpu.memory_space<hbm>> -> memref<10112x128xbf16, #tpu.memory_space<hbm>>
        tpu.enqueue_indirect_dma source(%dma_start3A_411 : memref<10112x128xbf16, #tpu.memory_space<hbm>>) target(%arg9 : memref<128x128xbf16, #tpu.memory_space<vmem>>) offsets(%arg33 : memref<128xi32, #tpu.memory_space<vmem>>) semaphore(%arg21 : memref<!tpu.dma_semaphore, #tpu.memory_space<semaphore_mem>>)
      } else {
      }
    }
    %scan3A_150 = arith.constant 10 : i32
    %dma_wait3A_151 = arith.constant 0 : i32
    %dma_wait3A_152 = arith.constant 0 : i32
    %dma_wait3A_153 = tpu.memref_slice %arg6[%dma_wait3A_151, %dma_wait3A_152] : memref<10112x128xbf16, #tpu.memory_space<vmem_shared>> -> memref<10112x128xbf16, #tpu.memory_space<vmem_shared>>
    tpu.wait_indirect_dma semaphore(%arg39 : memref<!tpu.dma_semaphore, #tpu.memory_space<semaphore_mem>>) src(%arg7 : memref<128x128xbf16, #tpu.memory_space<vmem>>) dst(%dma_wait3A_153 : memref<10112x128xbf16, #tpu.memory_space<vmem_shared>>)
    %dma_wait3A_154 = arith.constant 0 : i32
    %dma_wait3A_155 = arith.constant 0 : i32
    %dma_wait3A_156 = tpu.memref_slice %arg6[%dma_wait3A_154, %dma_wait3A_155] : memref<10112x128xbf16, #tpu.memory_space<vmem_shared>> -> memref<10112x128xbf16, #tpu.memory_space<vmem_shared>>
    tpu.wait_indirect_dma semaphore(%arg40 : memref<!tpu.dma_semaphore, #tpu.memory_space<semaphore_mem>>) src(%arg8 : memref<128x128xbf16, #tpu.memory_space<vmem>>) dst(%dma_wait3A_156 : memref<10112x128xbf16, #tpu.memory_space<vmem_shared>>)
    %dma_wait3A_157 = arith.constant 0 : i32
    %dma_wait3A_158 = arith.constant 0 : i32
    %dma_wait3A_159 = tpu.memref_slice %arg6[%dma_wait3A_157, %dma_wait3A_158] : memref<10112x128xbf16, #tpu.memory_space<vmem_shared>> -> memref<10112x128xbf16, #tpu.memory_space<vmem_shared>>
    tpu.wait_indirect_dma semaphore(%arg41 : memref<!tpu.dma_semaphore, #tpu.memory_space<semaphore_mem>>) src(%arg9 : memref<128x128xbf16, #tpu.memory_space<vmem>>) dst(%dma_wait3A_159 : memref<10112x128xbf16, #tpu.memory_space<vmem_shared>>)
    %dma_wait3A_160 = arith.constant 0 : i32
    %dma_wait3A_161 = arith.constant 0 : i32
    %dma_wait3A_162 = tpu.memref_slice %arg6[%dma_wait3A_160, %dma_wait3A_161] : memref<10112x128xbf16, #tpu.memory_space<vmem_shared>> -> memref<10112x128xbf16, #tpu.memory_space<vmem_shared>>
    tpu.wait_indirect_dma semaphore(%arg42 : memref<!tpu.dma_semaphore, #tpu.memory_space<semaphore_mem>>) src(%arg10 : memref<128x128xbf16, #tpu.memory_space<vmem>>) dst(%dma_wait3A_162 : memref<10112x128xbf16, #tpu.memory_space<vmem_shared>>)
    %barrier3A_163 = arith.constant 0 : index
    tpu.barrier barrier_id(%barrier3A_163)
    %add3A_164 = arith.constant 0 : i32
    %add3A_165 = arith.addi %mul3A_2, %add3A_164 : i32
    "tpu.region"() ({
      %run_scoped3A = tpu.sem_alloc : memref<!tpu.dma_semaphore, #tpu.memory_space<semaphore_mem>>
      %dma_start3A_199 = arith.constant 0 : i32
      %dma_start3A_200 = arith.constant 0 : i32
      %dma_start3A_201 = tpu.memref_slice %arg7[%dma_start3A_199, %dma_start3A_200] : memref<128x128xbf16, #tpu.memory_space<vmem>> -> memref<128x128xbf16, #tpu.memory_space<vmem>>
      %dma_start3A_202 = arith.constant 0 : i32
      %dma_start3A_203 = tpu.memref_slice %arg6[%add3A_165, %dma_start3A_202] : memref<10112x128xbf16, #tpu.memory_space<vmem_shared>> -> memref<128x128xbf16, #tpu.memory_space<vmem_shared>>
      %dma_start3A_204 = arith.constant 0 : i32
      %dma_start3A_205 = arith.constant 0 : i32
      %dma_start3A_206 = tpu.memref_slice %arg7[%dma_start3A_204, %dma_start3A_205] : memref<128x128xbf16, #tpu.memory_space<vmem>> -> memref<128x128xbf16, #tpu.memory_space<vmem>>
      %dma_start3A_207 = arith.constant 0 : i32
      %dma_start3A_208 = tpu.memref_slice %arg6[%add3A_165, %dma_start3A_207] : memref<10112x128xbf16, #tpu.memory_space<vmem_shared>> -> memref<128x128xbf16, #tpu.memory_space<vmem_shared>>
      tpu.enqueue_dma source(%dma_start3A_208 : memref<128x128xbf16, #tpu.memory_space<vmem_shared>>) target(%dma_start3A_206 : memref<128x128xbf16, #tpu.memory_space<vmem>>) target_semaphore(%run_scoped3A : memref<!tpu.dma_semaphore, #tpu.memory_space<semaphore_mem>>)
      %dma_wait3A_209 = arith.constant 0 : i32
      %dma_wait3A_210 = arith.constant 0 : i32
      %dma_wait3A_211 = tpu.memref_slice %arg7[%dma_wait3A_209, %dma_wait3A_210] : memref<128x128xbf16, #tpu.memory_space<vmem>> -> memref<128x128xbf16, #tpu.memory_space<vmem>>
      %dma_wait3A_212 = arith.constant 0 : i32
      %dma_wait3A_213 = tpu.memref_slice %arg6[%add3A_165, %dma_wait3A_212] : memref<10112x128xbf16, #tpu.memory_space<vmem_shared>> -> memref<128x128xbf16, #tpu.memory_space<vmem_shared>>
      %dma_wait3A_214 = arith.constant 0 : i32
      %dma_wait3A_215 = arith.constant 0 : i32
      %dma_wait3A_216 = tpu.memref_slice %arg7[%dma_wait3A_214, %dma_wait3A_215] : memref<128x128xbf16, #tpu.memory_space<vmem>> -> memref<128x128xbf16, #tpu.memory_space<vmem>>
      %dma_wait3A_217 = arith.constant 0 : i32
      %dma_wait3A_218 = tpu.memref_slice %arg6[%add3A_165, %dma_wait3A_217] : memref<10112x128xbf16, #tpu.memory_space<vmem_shared>> -> memref<128x128xbf16, #tpu.memory_space<vmem_shared>>
      tpu.wait_dma2 semaphore(%run_scoped3A : memref<!tpu.dma_semaphore, #tpu.memory_space<semaphore_mem>>) src(%dma_wait3A_218 : memref<128x128xbf16, #tpu.memory_space<vmem_shared>>) dst(%dma_wait3A_216 : memref<128x128xbf16, #tpu.memory_space<vmem>>)
      tpu.yield
    }) : () -> ()
    %mul3A_166 = arith.constant 10112 : i32
    %mul3A_167 = arith.muli %arg0, %mul3A_166 : i32
    %add3A_168 = arith.addi %mul3A_167, %mul3A_2 : i32
    %add3A_169 = arith.constant 0 : i32
    %add3A_170 = arith.addi %add3A_168, %add3A_169 : i32
    "tpu.region"() ({
      %run_scoped3A = tpu.sem_alloc : memref<!tpu.dma_semaphore, #tpu.memory_space<semaphore_mem>>
      %dma_start3A_199 = arith.constant 0 : i32
      %dma_start3A_200 = arith.constant 0 : i32
      %dma_start3A_201 = tpu.memref_slice %arg7[%dma_start3A_199, %dma_start3A_200] : memref<128x128xbf16, #tpu.memory_space<vmem>> -> memref<128x128xbf16, #tpu.memory_space<vmem>>
      %dma_start3A_202 = arith.constant 0 : i32
      %dma_start3A_203 = tpu.memref_slice %arg5[%add3A_170, %dma_start3A_202] : memref<20224x128xbf16, #tpu.memory_space<hbm>> -> memref<128x128xbf16, #tpu.memory_space<hbm>>
      %dma_start3A_204 = arith.constant 0 : i32
      %dma_start3A_205 = tpu.memref_slice %arg5[%add3A_170, %dma_start3A_204] : memref<20224x128xbf16, #tpu.memory_space<hbm>> -> memref<128x128xbf16, #tpu.memory_space<hbm>>
      %dma_start3A_206 = arith.constant 0 : i32
      %dma_start3A_207 = arith.constant 0 : i32
      %dma_start3A_208 = tpu.memref_slice %arg7[%dma_start3A_206, %dma_start3A_207] : memref<128x128xbf16, #tpu.memory_space<vmem>> -> memref<128x128xbf16, #tpu.memory_space<vmem>>
      tpu.enqueue_dma source(%dma_start3A_208 : memref<128x128xbf16, #tpu.memory_space<vmem>>) target(%dma_start3A_205 : memref<128x128xbf16, #tpu.memory_space<hbm>>) target_semaphore(%run_scoped3A : memref<!tpu.dma_semaphore, #tpu.memory_space<semaphore_mem>>)
      %dma_wait3A_209 = arith.constant 0 : i32
      %dma_wait3A_210 = arith.constant 0 : i32
      %dma_wait3A_211 = tpu.memref_slice %arg7[%dma_wait3A_209, %dma_wait3A_210] : memref<128x128xbf16, #tpu.memory_space<vmem>> -> memref<128x128xbf16, #tpu.memory_space<vmem>>
      %dma_wait3A_212 = arith.constant 0 : i32
      %dma_wait3A_213 = tpu.memref_slice %arg5[%add3A_170, %dma_wait3A_212] : memref<20224x128xbf16, #tpu.memory_space<hbm>> -> memref<128x128xbf16, #tpu.memory_space<hbm>>
      %dma_wait3A_214 = arith.constant 0 : i32
      %dma_wait3A_215 = tpu.memref_slice %arg5[%add3A_170, %dma_wait3A_214] : memref<20224x128xbf16, #tpu.memory_space<hbm>> -> memref<128x128xbf16, #tpu.memory_space<hbm>>
      %dma_wait3A_216 = arith.constant 0 : i32
      %dma_wait3A_217 = arith.constant 0 : i32
      %dma_wait3A_218 = tpu.memref_slice %arg7[%dma_wait3A_216, %dma_wait3A_217] : memref<128x128xbf16, #tpu.memory_space<vmem>> -> memref<128x128xbf16, #tpu.memory_space<vmem>>
      tpu.wait_dma2 semaphore(%run_scoped3A : memref<!tpu.dma_semaphore, #tpu.memory_space<semaphore_mem>>) src(%dma_wait3A_218 : memref<128x128xbf16, #tpu.memory_space<vmem>>) dst(%dma_wait3A_215 : memref<128x128xbf16, #tpu.memory_space<hbm>>)
      tpu.yield
    }) : () -> ()
    %add3A_171 = arith.constant 128 : i32
    %add3A_172 = arith.addi %mul3A_2, %add3A_171 : i32
    "tpu.region"() ({
      %run_scoped3A = tpu.sem_alloc : memref<!tpu.dma_semaphore, #tpu.memory_space<semaphore_mem>>
      %dma_start3A_199 = arith.constant 0 : i32
      %dma_start3A_200 = arith.constant 0 : i32
      %dma_start3A_201 = tpu.memref_slice %arg7[%dma_start3A_199, %dma_start3A_200] : memref<128x128xbf16, #tpu.memory_space<vmem>> -> memref<128x128xbf16, #tpu.memory_space<vmem>>
      %dma_start3A_202 = arith.constant 0 : i32
      %dma_start3A_203 = tpu.memref_slice %arg6[%add3A_172, %dma_start3A_202] : memref<10112x128xbf16, #tpu.memory_space<vmem_shared>> -> memref<128x128xbf16, #tpu.memory_space<vmem_shared>>
      %dma_start3A_204 = arith.constant 0 : i32
      %dma_start3A_205 = arith.constant 0 : i32
      %dma_start3A_206 = tpu.memref_slice %arg7[%dma_start3A_204, %dma_start3A_205] : memref<128x128xbf16, #tpu.memory_space<vmem>> -> memref<128x128xbf16, #tpu.memory_space<vmem>>
      %dma_start3A_207 = arith.constant 0 : i32
      %dma_start3A_208 = tpu.memref_slice %arg6[%add3A_172, %dma_start3A_207] : memref<10112x128xbf16, #tpu.memory_space<vmem_shared>> -> memref<128x128xbf16, #tpu.memory_space<vmem_shared>>
      tpu.enqueue_dma source(%dma_start3A_208 : memref<128x128xbf16, #tpu.memory_space<vmem_shared>>) target(%dma_start3A_206 : memref<128x128xbf16, #tpu.memory_space<vmem>>) target_semaphore(%run_scoped3A : memref<!tpu.dma_semaphore, #tpu.memory_space<semaphore_mem>>)
      %dma_wait3A_209 = arith.constant 0 : i32
      %dma_wait3A_210 = arith.constant 0 : i32
      %dma_wait3A_211 = tpu.memref_slice %arg7[%dma_wait3A_209, %dma_wait3A_210] : memref<128x128xbf16, #tpu.memory_space<vmem>> -> memref<128x128xbf16, #tpu.memory_space<vmem>>
      %dma_wait3A_212 = arith.constant 0 : i32
      %dma_wait3A_213 = tpu.memref_slice %arg6[%add3A_172, %dma_wait3A_212] : memref<10112x128xbf16, #tpu.memory_space<vmem_shared>> -> memref<128x128xbf16, #tpu.memory_space<vmem_shared>>
      %dma_wait3A_214 = arith.constant 0 : i32
      %dma_wait3A_215 = arith.constant 0 : i32
      %dma_wait3A_216 = tpu.memref_slice %arg7[%dma_wait3A_214, %dma_wait3A_215] : memref<128x128xbf16, #tpu.memory_space<vmem>> -> memref<128x128xbf16, #tpu.memory_space<vmem>>
      %dma_wait3A_217 = arith.constant 0 : i32
      %dma_wait3A_218 = tpu.memref_slice %arg6[%add3A_172, %dma_wait3A_217] : memref<10112x128xbf16, #tpu.memory_space<vmem_shared>> -> memref<128x128xbf16, #tpu.memory_space<vmem_shared>>
      tpu.wait_dma2 semaphore(%run_scoped3A : memref<!tpu.dma_semaphore, #tpu.memory_space<semaphore_mem>>) src(%dma_wait3A_218 : memref<128x128xbf16, #tpu.memory_space<vmem_shared>>) dst(%dma_wait3A_216 : memref<128x128xbf16, #tpu.memory_space<vmem>>)
      tpu.yield
    }) : () -> ()
    %mul3A_173 = arith.constant 10112 : i32
    %mul3A_174 = arith.muli %arg0, %mul3A_173 : i32
    %add3A_175 = arith.addi %mul3A_174, %mul3A_2 : i32
    %add3A_176 = arith.constant 128 : i32
    %add3A_177 = arith.addi %add3A_175, %add3A_176 : i32
    "tpu.region"() ({
      %run_scoped3A = tpu.sem_alloc : memref<!tpu.dma_semaphore, #tpu.memory_space<semaphore_mem>>
      %dma_start3A_199 = arith.constant 0 : i32
      %dma_start3A_200 = arith.constant 0 : i32
      %dma_start3A_201 = tpu.memref_slice %arg7[%dma_start3A_199, %dma_start3A_200] : memref<128x128xbf16, #tpu.memory_space<vmem>> -> memref<128x128xbf16, #tpu.memory_space<vmem>>
      %dma_start3A_202 = arith.constant 0 : i32
      %dma_start3A_203 = tpu.memref_slice %arg5[%add3A_177, %dma_start3A_202] : memref<20224x128xbf16, #tpu.memory_space<hbm>> -> memref<128x128xbf16, #tpu.memory_space<hbm>>
      %dma_start3A_204 = arith.constant 0 : i32
      %dma_start3A_205 = tpu.memref_slice %arg5[%add3A_177, %dma_start3A_204] : memref<20224x128xbf16, #tpu.memory_space<hbm>> -> memref<128x128xbf16, #tpu.memory_space<hbm>>
      %dma_start3A_206 = arith.constant 0 : i32
      %dma_start3A_207 = arith.constant 0 : i32
      %dma_start3A_208 = tpu.memref_slice %arg7[%dma_start3A_206, %dma_start3A_207] : memref<128x128xbf16, #tpu.memory_space<vmem>> -> memref<128x128xbf16, #tpu.memory_space<vmem>>
      tpu.enqueue_dma source(%dma_start3A_208 : memref<128x128xbf16, #tpu.memory_space<vmem>>) target(%dma_start3A_205 : memref<128x128xbf16, #tpu.memory_space<hbm>>) target_semaphore(%run_scoped3A : memref<!tpu.dma_semaphore, #tpu.memory_space<semaphore_mem>>)
      %dma_wait3A_209 = arith.constant 0 : i32
      %dma_wait3A_210 = arith.constant 0 : i32
      %dma_wait3A_211 = tpu.memref_slice %arg7[%dma_wait3A_209, %dma_wait3A_210] : memref<128x128xbf16, #tpu.memory_space<vmem>> -> memref<128x128xbf16, #tpu.memory_space<vmem>>
      %dma_wait3A_212 = arith.constant 0 : i32
      %dma_wait3A_213 = tpu.memref_slice %arg5[%add3A_177, %dma_wait3A_212] : memref<20224x128xbf16, #tpu.memory_space<hbm>> -> memref<128x128xbf16, #tpu.memory_space<hbm>>
      %dma_wait3A_214 = arith.constant 0 : i32
      %dma_wait3A_215 = tpu.memref_slice %arg5[%add3A_177, %dma_wait3A_214] : memref<20224x128xbf16, #tpu.memory_space<hbm>> -> memref<128x128xbf16, #tpu.memory_space<hbm>>
      %dma_wait3A_216 = arith.constant 0 : i32
      %dma_wait3A_217 = arith.constant 0 : i32
      %dma_wait3A_218 = tpu.memref_slice %arg7[%dma_wait3A_216, %dma_wait3A_217] : memref<128x128xbf16, #tpu.memory_space<vmem>> -> memref<128x128xbf16, #tpu.memory_space<vmem>>
      tpu.wait_dma2 semaphore(%run_scoped3A : memref<!tpu.dma_semaphore, #tpu.memory_space<semaphore_mem>>) src(%dma_wait3A_218 : memref<128x128xbf16, #tpu.memory_space<vmem>>) dst(%dma_wait3A_215 : memref<128x128xbf16, #tpu.memory_space<hbm>>)
      tpu.yield
    }) : () -> ()
    %add3A_178 = arith.constant 256 : i32
    %add3A_179 = arith.addi %mul3A_2, %add3A_178 : i32
    "tpu.region"() ({
      %run_scoped3A = tpu.sem_alloc : memref<!tpu.dma_semaphore, #tpu.memory_space<semaphore_mem>>
      %dma_start3A_199 = arith.constant 0 : i32
      %dma_start3A_200 = arith.constant 0 : i32
      %dma_start3A_201 = tpu.memref_slice %arg7[%dma_start3A_199, %dma_start3A_200] : memref<128x128xbf16, #tpu.memory_space<vmem>> -> memref<128x128xbf16, #tpu.memory_space<vmem>>
      %dma_start3A_202 = arith.constant 0 : i32
      %dma_start3A_203 = tpu.memref_slice %arg6[%add3A_179, %dma_start3A_202] : memref<10112x128xbf16, #tpu.memory_space<vmem_shared>> -> memref<128x128xbf16, #tpu.memory_space<vmem_shared>>
      %dma_start3A_204 = arith.constant 0 : i32
      %dma_start3A_205 = arith.constant 0 : i32
      %dma_start3A_206 = tpu.memref_slice %arg7[%dma_start3A_204, %dma_start3A_205] : memref<128x128xbf16, #tpu.memory_space<vmem>> -> memref<128x128xbf16, #tpu.memory_space<vmem>>
      %dma_start3A_207 = arith.constant 0 : i32
      %dma_start3A_208 = tpu.memref_slice %arg6[%add3A_179, %dma_start3A_207] : memref<10112x128xbf16, #tpu.memory_space<vmem_shared>> -> memref<128x128xbf16, #tpu.memory_space<vmem_shared>>
      tpu.enqueue_dma source(%dma_start3A_208 : memref<128x128xbf16, #tpu.memory_space<vmem_shared>>) target(%dma_start3A_206 : memref<128x128xbf16, #tpu.memory_space<vmem>>) target_semaphore(%run_scoped3A : memref<!tpu.dma_semaphore, #tpu.memory_space<semaphore_mem>>)
      %dma_wait3A_209 = arith.constant 0 : i32
      %dma_wait3A_210 = arith.constant 0 : i32
      %dma_wait3A_211 = tpu.memref_slice %arg7[%dma_wait3A_209, %dma_wait3A_210] : memref<128x128xbf16, #tpu.memory_space<vmem>> -> memref<128x128xbf16, #tpu.memory_space<vmem>>
      %dma_wait3A_212 = arith.constant 0 : i32
      %dma_wait3A_213 = tpu.memref_slice %arg6[%add3A_179, %dma_wait3A_212] : memref<10112x128xbf16, #tpu.memory_space<vmem_shared>> -> memref<128x128xbf16, #tpu.memory_space<vmem_shared>>
      %dma_wait3A_214 = arith.constant 0 : i32
      %dma_wait3A_215 = arith.constant 0 : i32
      %dma_wait3A_216 = tpu.memref_slice %arg7[%dma_wait3A_214, %dma_wait3A_215] : memref<128x128xbf16, #tpu.memory_space<vmem>> -> memref<128x128xbf16, #tpu.memory_space<vmem>>
      %dma_wait3A_217 = arith.constant 0 : i32
      %dma_wait3A_218 = tpu.memref_slice %arg6[%add3A_179, %dma_wait3A_217] : memref<10112x128xbf16, #tpu.memory_space<vmem_shared>> -> memref<128x128xbf16, #tpu.memory_space<vmem_shared>>
      tpu.wait_dma2 semaphore(%run_scoped3A : memref<!tpu.dma_semaphore, #tpu.memory_space<semaphore_mem>>) src(%dma_wait3A_218 : memref<128x128xbf16, #tpu.memory_space<vmem_shared>>) dst(%dma_wait3A_216 : memref<128x128xbf16, #tpu.memory_space<vmem>>)
      tpu.yield
    }) : () -> ()
    %mul3A_180 = arith.constant 10112 : i32
    %mul3A_181 = arith.muli %arg0, %mul3A_180 : i32
    %add3A_182 = arith.addi %mul3A_181, %mul3A_2 : i32
    %add3A_183 = arith.constant 256 : i32
    %add3A_184 = arith.addi %add3A_182, %add3A_183 : i32
    "tpu.region"() ({
      %run_scoped3A = tpu.sem_alloc : memref<!tpu.dma_semaphore, #tpu.memory_space<semaphore_mem>>
      %dma_start3A_199 = arith.constant 0 : i32
      %dma_start3A_200 = arith.constant 0 : i32
      %dma_start3A_201 = tpu.memref_slice %arg7[%dma_start3A_199, %dma_start3A_200] : memref<128x128xbf16, #tpu.memory_space<vmem>> -> memref<128x128xbf16, #tpu.memory_space<vmem>>
      %dma_start3A_202 = arith.constant 0 : i32
      %dma_start3A_203 = tpu.memref_slice %arg5[%add3A_184, %dma_start3A_202] : memref<20224x128xbf16, #tpu.memory_space<hbm>> -> memref<128x128xbf16, #tpu.memory_space<hbm>>
      %dma_start3A_204 = arith.constant 0 : i32
      %dma_start3A_205 = tpu.memref_slice %arg5[%add3A_184, %dma_start3A_204] : memref<20224x128xbf16, #tpu.memory_space<hbm>> -> memref<128x128xbf16, #tpu.memory_space<hbm>>
      %dma_start3A_206 = arith.constant 0 : i32
      %dma_start3A_207 = arith.constant 0 : i32
      %dma_start3A_208 = tpu.memref_slice %arg7[%dma_start3A_206, %dma_start3A_207] : memref<128x128xbf16, #tpu.memory_space<vmem>> -> memref<128x128xbf16, #tpu.memory_space<vmem>>
      tpu.enqueue_dma source(%dma_start3A_208 : memref<128x128xbf16, #tpu.memory_space<vmem>>) target(%dma_start3A_205 : memref<128x128xbf16, #tpu.memory_space<hbm>>) target_semaphore(%run_scoped3A : memref<!tpu.dma_semaphore, #tpu.memory_space<semaphore_mem>>)
      %dma_wait3A_209 = arith.constant 0 : i32
      %dma_wait3A_210 = arith.constant 0 : i32
      %dma_wait3A_211 = tpu.memref_slice %arg7[%dma_wait3A_209, %dma_wait3A_210] : memref<128x128xbf16, #tpu.memory_space<vmem>> -> memref<128x128xbf16, #tpu.memory_space<vmem>>
      %dma_wait3A_212 = arith.constant 0 : i32
      %dma_wait3A_213 = tpu.memref_slice %arg5[%add3A_184, %dma_wait3A_212] : memref<20224x128xbf16, #tpu.memory_space<hbm>> -> memref<128x128xbf16, #tpu.memory_space<hbm>>
      %dma_wait3A_214 = arith.constant 0 : i32
      %dma_wait3A_215 = tpu.memref_slice %arg5[%add3A_184, %dma_wait3A_214] : memref<20224x128xbf16, #tpu.memory_space<hbm>> -> memref<128x128xbf16, #tpu.memory_space<hbm>>
      %dma_wait3A_216 = arith.constant 0 : i32
      %dma_wait3A_217 = arith.constant 0 : i32
      %dma_wait3A_218 = tpu.memref_slice %arg7[%dma_wait3A_216, %dma_wait3A_217] : memref<128x128xbf16, #tpu.memory_space<vmem>> -> memref<128x128xbf16, #tpu.memory_space<vmem>>
      tpu.wait_dma2 semaphore(%run_scoped3A : memref<!tpu.dma_semaphore, #tpu.memory_space<semaphore_mem>>) src(%dma_wait3A_218 : memref<128x128xbf16, #tpu.memory_space<vmem>>) dst(%dma_wait3A_215 : memref<128x128xbf16, #tpu.memory_space<hbm>>)
      tpu.yield
    }) : () -> ()
    %add3A_185 = arith.constant 384 : i32
    %add3A_186 = arith.addi %mul3A_2, %add3A_185 : i32
    "tpu.region"() ({
      %run_scoped3A = tpu.sem_alloc : memref<!tpu.dma_semaphore, #tpu.memory_space<semaphore_mem>>
      %dma_start3A_199 = arith.constant 0 : i32
      %dma_start3A_200 = arith.constant 0 : i32
      %dma_start3A_201 = tpu.memref_slice %arg7[%dma_start3A_199, %dma_start3A_200] : memref<128x128xbf16, #tpu.memory_space<vmem>> -> memref<128x128xbf16, #tpu.memory_space<vmem>>
      %dma_start3A_202 = arith.constant 0 : i32
      %dma_start3A_203 = tpu.memref_slice %arg6[%add3A_186, %dma_start3A_202] : memref<10112x128xbf16, #tpu.memory_space<vmem_shared>> -> memref<128x128xbf16, #tpu.memory_space<vmem_shared>>
      %dma_start3A_204 = arith.constant 0 : i32
      %dma_start3A_205 = arith.constant 0 : i32
      %dma_start3A_206 = tpu.memref_slice %arg7[%dma_start3A_204, %dma_start3A_205] : memref<128x128xbf16, #tpu.memory_space<vmem>> -> memref<128x128xbf16, #tpu.memory_space<vmem>>
      %dma_start3A_207 = arith.constant 0 : i32
      %dma_start3A_208 = tpu.memref_slice %arg6[%add3A_186, %dma_start3A_207] : memref<10112x128xbf16, #tpu.memory_space<vmem_shared>> -> memref<128x128xbf16, #tpu.memory_space<vmem_shared>>
      tpu.enqueue_dma source(%dma_start3A_208 : memref<128x128xbf16, #tpu.memory_space<vmem_shared>>) target(%dma_start3A_206 : memref<128x128xbf16, #tpu.memory_space<vmem>>) target_semaphore(%run_scoped3A : memref<!tpu.dma_semaphore, #tpu.memory_space<semaphore_mem>>)
      %dma_wait3A_209 = arith.constant 0 : i32
      %dma_wait3A_210 = arith.constant 0 : i32
      %dma_wait3A_211 = tpu.memref_slice %arg7[%dma_wait3A_209, %dma_wait3A_210] : memref<128x128xbf16, #tpu.memory_space<vmem>> -> memref<128x128xbf16, #tpu.memory_space<vmem>>
      %dma_wait3A_212 = arith.constant 0 : i32
      %dma_wait3A_213 = tpu.memref_slice %arg6[%add3A_186, %dma_wait3A_212] : memref<10112x128xbf16, #tpu.memory_space<vmem_shared>> -> memref<128x128xbf16, #tpu.memory_space<vmem_shared>>
      %dma_wait3A_214 = arith.constant 0 : i32
      %dma_wait3A_215 = arith.constant 0 : i32
      %dma_wait3A_216 = tpu.memref_slice %arg7[%dma_wait3A_214, %dma_wait3A_215] : memref<128x128xbf16, #tpu.memory_space<vmem>> -> memref<128x128xbf16, #tpu.memory_space<vmem>>
      %dma_wait3A_217 = arith.constant 0 : i32
      %dma_wait3A_218 = tpu.memref_slice %arg6[%add3A_186, %dma_wait3A_217] : memref<10112x128xbf16, #tpu.memory_space<vmem_shared>> -> memref<128x128xbf16, #tpu.memory_space<vmem_shared>>
      tpu.wait_dma2 semaphore(%run_scoped3A : memref<!tpu.dma_semaphore, #tpu.memory_space<semaphore_mem>>) src(%dma_wait3A_218 : memref<128x128xbf16, #tpu.memory_space<vmem_shared>>) dst(%dma_wait3A_216 : memref<128x128xbf16, #tpu.memory_space<vmem>>)
      tpu.yield
    }) : () -> ()
    %mul3A_187 = arith.constant 10112 : i32
    %mul3A_188 = arith.muli %arg0, %mul3A_187 : i32
    %add3A_189 = arith.addi %mul3A_188, %mul3A_2 : i32
    %add3A_190 = arith.constant 384 : i32
    %add3A_191 = arith.addi %add3A_189, %add3A_190 : i32
    "tpu.region"() ({
      %run_scoped3A = tpu.sem_alloc : memref<!tpu.dma_semaphore, #tpu.memory_space<semaphore_mem>>
      %dma_start3A_199 = arith.constant 0 : i32
      %dma_start3A_200 = arith.constant 0 : i32
      %dma_start3A_201 = tpu.memref_slice %arg7[%dma_start3A_199, %dma_start3A_200] : memref<128x128xbf16, #tpu.memory_space<vmem>> -> memref<128x128xbf16, #tpu.memory_space<vmem>>
      %dma_start3A_202 = arith.constant 0 : i32
      %dma_start3A_203 = tpu.memref_slice %arg5[%add3A_191, %dma_start3A_202] : memref<20224x128xbf16, #tpu.memory_space<hbm>> -> memref<128x128xbf16, #tpu.memory_space<hbm>>
      %dma_start3A_204 = arith.constant 0 : i32
      %dma_start3A_205 = tpu.memref_slice %arg5[%add3A_191, %dma_start3A_204] : memref<20224x128xbf16, #tpu.memory_space<hbm>> -> memref<128x128xbf16, #tpu.memory_space<hbm>>
      %dma_start3A_206 = arith.constant 0 : i32
      %dma_start3A_207 = arith.constant 0 : i32
      %dma_start3A_208 = tpu.memref_slice %arg7[%dma_start3A_206, %dma_start3A_207] : memref<128x128xbf16, #tpu.memory_space<vmem>> -> memref<128x128xbf16, #tpu.memory_space<vmem>>
      tpu.enqueue_dma source(%dma_start3A_208 : memref<128x128xbf16, #tpu.memory_space<vmem>>) target(%dma_start3A_205 : memref<128x128xbf16, #tpu.memory_space<hbm>>) target_semaphore(%run_scoped3A : memref<!tpu.dma_semaphore, #tpu.memory_space<semaphore_mem>>)
      %dma_wait3A_209 = arith.constant 0 : i32
      %dma_wait3A_210 = arith.constant 0 : i32
      %dma_wait3A_211 = tpu.memref_slice %arg7[%dma_wait3A_209, %dma_wait3A_210] : memref<128x128xbf16, #tpu.memory_space<vmem>> -> memref<128x128xbf16, #tpu.memory_space<vmem>>
      %dma_wait3A_212 = arith.constant 0 : i32
      %dma_wait3A_213 = tpu.memref_slice %arg5[%add3A_191, %dma_wait3A_212] : memref<20224x128xbf16, #tpu.memory_space<hbm>> -> memref<128x128xbf16, #tpu.memory_space<hbm>>
      %dma_wait3A_214 = arith.constant 0 : i32
      %dma_wait3A_215 = tpu.memref_slice %arg5[%add3A_191, %dma_wait3A_214] : memref<20224x128xbf16, #tpu.memory_space<hbm>> -> memref<128x128xbf16, #tpu.memory_space<hbm>>
      %dma_wait3A_216 = arith.constant 0 : i32
      %dma_wait3A_217 = arith.constant 0 : i32
      %dma_wait3A_218 = tpu.memref_slice %arg7[%dma_wait3A_216, %dma_wait3A_217] : memref<128x128xbf16, #tpu.memory_space<vmem>> -> memref<128x128xbf16, #tpu.memory_space<vmem>>
      tpu.wait_dma2 semaphore(%run_scoped3A : memref<!tpu.dma_semaphore, #tpu.memory_space<semaphore_mem>>) src(%dma_wait3A_218 : memref<128x128xbf16, #tpu.memory_space<vmem>>) dst(%dma_wait3A_215 : memref<128x128xbf16, #tpu.memory_space<hbm>>)
      tpu.yield
    }) : () -> ()
    %add3A_192 = arith.constant 512 : i32
    %add3A_193 = arith.addi %mul3A_2, %add3A_192 : i32
    "tpu.region"() ({
      %run_scoped3A = tpu.sem_alloc : memref<!tpu.dma_semaphore, #tpu.memory_space<semaphore_mem>>
      %dma_start3A_199 = arith.constant 0 : i32
      %dma_start3A_200 = arith.constant 0 : i32
      %dma_start3A_201 = tpu.memref_slice %arg7[%dma_start3A_199, %dma_start3A_200] : memref<128x128xbf16, #tpu.memory_space<vmem>> -> memref<120x128xbf16, #tpu.memory_space<vmem>>
      %dma_start3A_202 = arith.constant 0 : i32
      %dma_start3A_203 = tpu.memref_slice %arg6[%add3A_193, %dma_start3A_202] : memref<10112x128xbf16, #tpu.memory_space<vmem_shared>> -> memref<120x128xbf16, #tpu.memory_space<vmem_shared>>
      %dma_start3A_204 = arith.constant 0 : i32
      %dma_start3A_205 = arith.constant 0 : i32
      %dma_start3A_206 = tpu.memref_slice %arg7[%dma_start3A_204, %dma_start3A_205] : memref<128x128xbf16, #tpu.memory_space<vmem>> -> memref<120x128xbf16, #tpu.memory_space<vmem>>
      %dma_start3A_207 = arith.constant 0 : i32
      %dma_start3A_208 = tpu.memref_slice %arg6[%add3A_193, %dma_start3A_207] : memref<10112x128xbf16, #tpu.memory_space<vmem_shared>> -> memref<120x128xbf16, #tpu.memory_space<vmem_shared>>
      tpu.enqueue_dma source(%dma_start3A_208 : memref<120x128xbf16, #tpu.memory_space<vmem_shared>>) target(%dma_start3A_206 : memref<120x128xbf16, #tpu.memory_space<vmem>>) target_semaphore(%run_scoped3A : memref<!tpu.dma_semaphore, #tpu.memory_space<semaphore_mem>>)
      %dma_wait3A_209 = arith.constant 0 : i32
      %dma_wait3A_210 = arith.constant 0 : i32
      %dma_wait3A_211 = tpu.memref_slice %arg7[%dma_wait3A_209, %dma_wait3A_210] : memref<128x128xbf16, #tpu.memory_space<vmem>> -> memref<120x128xbf16, #tpu.memory_space<vmem>>
      %dma_wait3A_212 = arith.constant 0 : i32
      %dma_wait3A_213 = tpu.memref_slice %arg6[%add3A_193, %dma_wait3A_212] : memref<10112x128xbf16, #tpu.memory_space<vmem_shared>> -> memref<120x128xbf16, #tpu.memory_space<vmem_shared>>
      %dma_wait3A_214 = arith.constant 0 : i32
      %dma_wait3A_215 = arith.constant 0 : i32
      %dma_wait3A_216 = tpu.memref_slice %arg7[%dma_wait3A_214, %dma_wait3A_215] : memref<128x128xbf16, #tpu.memory_space<vmem>> -> memref<120x128xbf16, #tpu.memory_space<vmem>>
      %dma_wait3A_217 = arith.constant 0 : i32
      %dma_wait3A_218 = tpu.memref_slice %arg6[%add3A_193, %dma_wait3A_217] : memref<10112x128xbf16, #tpu.memory_space<vmem_shared>> -> memref<120x128xbf16, #tpu.memory_space<vmem_shared>>
      tpu.wait_dma2 semaphore(%run_scoped3A : memref<!tpu.dma_semaphore, #tpu.memory_space<semaphore_mem>>) src(%dma_wait3A_218 : memref<120x128xbf16, #tpu.memory_space<vmem_shared>>) dst(%dma_wait3A_216 : memref<120x128xbf16, #tpu.memory_space<vmem>>)
      tpu.yield
    }) : () -> ()
    %mul3A_194 = arith.constant 10112 : i32
    %mul3A_195 = arith.muli %arg0, %mul3A_194 : i32
    %add3A_196 = arith.addi %mul3A_195, %mul3A_2 : i32
    %add3A_197 = arith.constant 512 : i32
    %add3A_198 = arith.addi %add3A_196, %add3A_197 : i32
    "tpu.region"() ({
      %run_scoped3A = tpu.sem_alloc : memref<!tpu.dma_semaphore, #tpu.memory_space<semaphore_mem>>
      %dma_start3A_199 = arith.constant 0 : i32
      %dma_start3A_200 = arith.constant 0 : i32
      %dma_start3A_201 = tpu.memref_slice %arg7[%dma_start3A_199, %dma_start3A_200] : memref<128x128xbf16, #tpu.memory_space<vmem>> -> memref<120x128xbf16, #tpu.memory_space<vmem>>
      %dma_start3A_202 = arith.constant 0 : i32
      %dma_start3A_203 = tpu.memref_slice %arg5[%add3A_198, %dma_start3A_202] : memref<20224x128xbf16, #tpu.memory_space<hbm>> -> memref<120x128xbf16, #tpu.memory_space<hbm>>
      %dma_start3A_204 = arith.constant 0 : i32
      %dma_start3A_205 = tpu.memref_slice %arg5[%add3A_198, %dma_start3A_204] : memref<20224x128xbf16, #tpu.memory_space<hbm>> -> memref<120x128xbf16, #tpu.memory_space<hbm>>
      %dma_start3A_206 = arith.constant 0 : i32
      %dma_start3A_207 = arith.constant 0 : i32
      %dma_start3A_208 = tpu.memref_slice %arg7[%dma_start3A_206, %dma_start3A_207] : memref<128x128xbf16, #tpu.memory_space<vmem>> -> memref<120x128xbf16, #tpu.memory_space<vmem>>
      tpu.enqueue_dma source(%dma_start3A_208 : memref<120x128xbf16, #tpu.memory_space<vmem>>) target(%dma_start3A_205 : memref<120x128xbf16, #tpu.memory_space<hbm>>) target_semaphore(%run_scoped3A : memref<!tpu.dma_semaphore, #tpu.memory_space<semaphore_mem>>)
      %dma_wait3A_209 = arith.constant 0 : i32
      %dma_wait3A_210 = arith.constant 0 : i32
      %dma_wait3A_211 = tpu.memref_slice %arg7[%dma_wait3A_209, %dma_wait3A_210] : memref<128x128xbf16, #tpu.memory_space<vmem>> -> memref<120x128xbf16, #tpu.memory_space<vmem>>
      %dma_wait3A_212 = arith.constant 0 : i32
      %dma_wait3A_213 = tpu.memref_slice %arg5[%add3A_198, %dma_wait3A_212] : memref<20224x128xbf16, #tpu.memory_space<hbm>> -> memref<120x128xbf16, #tpu.memory_space<hbm>>
      %dma_wait3A_214 = arith.constant 0 : i32
      %dma_wait3A_215 = tpu.memref_slice %arg5[%add3A_198, %dma_wait3A_214] : memref<20224x128xbf16, #tpu.memory_space<hbm>> -> memref<120x128xbf16, #tpu.memory_space<hbm>>
      %dma_wait3A_216 = arith.constant 0 : i32
      %dma_wait3A_217 = arith.constant 0 : i32
      %dma_wait3A_218 = tpu.memref_slice %arg7[%dma_wait3A_216, %dma_wait3A_217] : memref<128x128xbf16, #tpu.memory_space<vmem>> -> memref<120x128xbf16, #tpu.memory_space<vmem>>
      tpu.wait_dma2 semaphore(%run_scoped3A : memref<!tpu.dma_semaphore, #tpu.memory_space<semaphore_mem>>) src(%dma_wait3A_218 : memref<120x128xbf16, #tpu.memory_space<vmem>>) dst(%dma_wait3A_215 : memref<120x128xbf16, #tpu.memory_space<hbm>>)
      tpu.yield
    }) : () -> ()
    return
  }
}

module attributes {stable_mosaic.version = 14 : i64} {
  func.func @body(%arg0: memref<20224x16xf32, #tpu.memory_space<vmem>>, %arg1: memref<10000x128xf32, #tpu.memory_space<vmem>>, %arg2: memref<10112x128xbf16, #tpu.memory_space<vmem>>) attributes {dimension_semantics = [], scalar_prefetch = 0 : i64, scratch_operands = 0 : i64, tpu.core_type = #tpu.core_type<tc>} {
    %get3A = arith.constant 0 : index
    %get3A_0 = arith.constant 0 : index
    %get3A_1 = vector.load %arg0[%get3A, %get3A_0] : memref<20224x16xf32, #tpu.memory_space<vmem>>, vector<10000x1xf32>
    %get3A_2 = arith.constant 10112 : index
    %get3A_3 = arith.constant 0 : index
    %get3A_4 = vector.load %arg0[%get3A_2, %get3A_3] : memref<20224x16xf32, #tpu.memory_space<vmem>>, vector<10000x1xf32>
    %add3A = arith.addf %get3A_1, %get3A_4 : vector<10000x1xf32>
    %add3A_5 = arith.constant 2.000000e+00 : f32
    %add3A_6 = vector.broadcast %add3A_5 : f32 to vector<10000x1xf32>
    %add3A_7 = arith.addf %add3A, %add3A_6 : vector<10000x1xf32>
    %rsqrt3A = math.rsqrt %add3A_7 : vector<10000x1xf32>
    %get3A_8 = arith.constant 0 : index
    %get3A_9 = arith.constant 0 : index
    %get3A_10 = vector.load %arg1[%get3A_8, %get3A_9] : memref<10000x128xf32, #tpu.memory_space<vmem>>, vector<10000x128xf32>
    %mul3A = vector.broadcast %rsqrt3A : vector<10000x1xf32> to vector<10000x128xf32>
    %mul3A_11 = arith.mulf %mul3A, %get3A_10 : vector<10000x128xf32>
    %convert_element_type3A = arith.truncf %mul3A_11 : vector<10000x128xf32> to vector<10000x128xbf16>
    %swap3A = arith.constant 0 : index
    %swap3A_12 = arith.constant 0 : index
    %swap3A_13 = vector.load %arg2[%swap3A, %swap3A_12] : memref<10112x128xbf16, #tpu.memory_space<vmem>>, vector<10000x128xbf16>
    tpu.vector_store %arg2[%swap3A, %swap3A_12], %convert_element_type3A {strides = array<i32>} : memref<10112x128xbf16, #tpu.memory_space<vmem>>, vector<10000x128xbf16>,
    %broadcast_in_dim3A = arith.constant 0.000000e+00 : bf16
    %broadcast_in_dim3A_14 = vector.broadcast %broadcast_in_dim3A : bf16 to vector<112x128xbf16>
    %swap3A_15 = arith.constant 10000 : index
    %swap3A_16 = arith.constant 0 : index
    %swap3A_17 = vector.load %arg2[%swap3A_15, %swap3A_16] : memref<10112x128xbf16, #tpu.memory_space<vmem>>, vector<112x128xbf16>
    tpu.vector_store %arg2[%swap3A_15, %swap3A_16], %broadcast_in_dim3A_14 {strides = array<i32>} : memref<10112x128xbf16, #tpu.memory_space<vmem>>, vector<112x128xbf16>,
    return
  }
}

module attributes {stable_mosaic.version = 14 : i64} {
  func.func @body(%arg0: memref<20224x16xf32, #tpu.memory_space<vmem>>, %arg1: memref<10000x128xf32, #tpu.memory_space<vmem>>, %arg2: memref<20224x128xbf16, #tpu.memory_space<vmem>>, %arg3: memref<128x128xf32, #tpu.memory_space<vmem>>, %arg4: memref<1x128xf32, #tpu.memory_space<vmem>>, %arg5: memref<128x128xf32, #tpu.memory_space<vmem>>, %arg6: memref<1x128xf32, #tpu.memory_space<vmem>>, %arg7: memref<128xf32, #tpu.memory_space<vmem>>, %arg8: memref<1xf32, #tpu.memory_space<vmem>>, %arg9: memref<10000xf32, #tpu.memory_space<vmem>>) attributes {dimension_semantics = [], scalar_prefetch = 0 : i64, scratch_operands = 0 : i64, tpu.core_type = #tpu.core_type<tc>} {
    %get3A = arith.constant 0 : index
    %get3A_0 = arith.constant 0 : index
    %get3A_1 = vector.load %arg0[%get3A, %get3A_0] : memref<20224x16xf32, #tpu.memory_space<vmem>>, vector<10000x1xf32>
    %get3A_2 = arith.constant 10112 : index
    %get3A_3 = arith.constant 0 : index
    %get3A_4 = vector.load %arg0[%get3A_2, %get3A_3] : memref<20224x16xf32, #tpu.memory_space<vmem>>, vector<10000x1xf32>
    %add3A = arith.addf %get3A_1, %get3A_4 : vector<10000x1xf32>
    %add3A_5 = arith.constant 2.000000e+00 : f32
    %add3A_6 = vector.broadcast %add3A_5 : f32 to vector<10000x1xf32>
    %add3A_7 = arith.addf %add3A, %add3A_6 : vector<10000x1xf32>
    %rsqrt3A = math.rsqrt %add3A_7 : vector<10000x1xf32>
    %get3A_8 = arith.constant 0 : index
    %get3A_9 = arith.constant 0 : index
    %get3A_10 = vector.load %arg1[%get3A_8, %get3A_9] : memref<10000x128xf32, #tpu.memory_space<vmem>>, vector<10000x128xf32>
    %get3A_11 = arith.constant 0 : index
    %get3A_12 = arith.constant 0 : index
    %get3A_13 = vector.load %arg2[%get3A_11, %get3A_12] : memref<20224x128xbf16, #tpu.memory_space<vmem>>, vector<10000x128xbf16>
    %convert_element_type3A = arith.extf %get3A_13 : vector<10000x128xbf16> to vector<10000x128xf32>
    %get3A_14 = arith.constant 10112 : index
    %get3A_15 = arith.constant 0 : index
    %get3A_16 = vector.load %arg2[%get3A_14, %get3A_15] : memref<20224x128xbf16, #tpu.memory_space<vmem>>, vector<10000x128xbf16>
    %convert_element_type3A_17 = arith.extf %get3A_16 : vector<10000x128xbf16> to vector<10000x128xf32>
    %add3A_18 = arith.addf %convert_element_type3A, %convert_element_type3A_17 : vector<10000x128xf32>
    %mul3A = vector.broadcast %rsqrt3A : vector<10000x1xf32> to vector<10000x128xf32>
    %mul3A_19 = arith.mulf %mul3A, %add3A_18 : vector<10000x128xf32>
    %mul3A_20 = arith.constant 2.000000e+00 : f32
    %mul3A_21 = vector.broadcast %mul3A_20 : f32 to vector<10000x1xf32>
    %mul3A_22 = arith.mulf %mul3A_21, %rsqrt3A : vector<10000x1xf32>
    %mul3A_23 = arith.mulf %mul3A_22, %rsqrt3A : vector<10000x1xf32>
    %mul3A_24 = vector.broadcast %mul3A_23 : vector<10000x1xf32> to vector<10000x128xf32>
    %mul3A_25 = arith.mulf %mul3A_24, %get3A_10 : vector<10000x128xf32>
    %add3A_26 = arith.addf %mul3A_19, %mul3A_25 : vector<10000x128xf32>
    %get3A_27 = arith.constant 0 : index
    %get3A_28 = arith.constant 0 : index
    %get3A_29 = vector.load %arg3[%get3A_27, %get3A_28] : memref<128x128xf32, #tpu.memory_space<vmem>>, vector<128x128xf32>
    %dot_general3A = arith.constant dense<0.000000e+00> : vector<10000x128xf32>
    %dot_general3A_30 = tpu.matmul %add3A_26, %get3A_29, %dot_general3A {dimension_numbers = #tpu.dot_dimension_numbers<[1], [0], [0], [1], [0, 0, 1, 1], [], []>, transpose_lhs_hint = false} : vector<10000x128xf32>, vector<128x128xf32>, vector<10000x128xf32> -> vector<10000x128xf32>
    %get3A_31 = arith.constant 0 : index
    %get3A_32 = arith.constant 0 : index
    %get3A_33 = vector.load %arg5[%get3A_31, %get3A_32] : memref<128x128xf32, #tpu.memory_space<vmem>>, vector<128x128xf32>
    %dot_general3A_34 = arith.constant dense<0.000000e+00> : vector<10000x128xf32>
    %dot_general3A_35 = tpu.matmul %get3A_10, %get3A_33, %dot_general3A_34 {dimension_numbers = #tpu.dot_dimension_numbers<[1], [0], [0], [1], [0, 0, 1, 1], [], []>, transpose_lhs_hint = false} : vector<10000x128xf32>, vector<128x128xf32>, vector<10000x128xf32> -> vector<10000x128xf32>
    %add3A_36 = arith.addf %dot_general3A_30, %dot_general3A_35 : vector<10000x128xf32>
    %get3A_37 = arith.constant 0 : index
    %get3A_38 = arith.constant 0 : index
    %get3A_39 = vector.load %arg4[%get3A_37, %get3A_38] : memref<1x128xf32, #tpu.memory_space<vmem>>, vector<1x128xf32>
    %get3A_40 = arith.constant 0 : index
    %get3A_41 = arith.constant 0 : index
    %get3A_42 = vector.load %arg6[%get3A_40, %get3A_41] : memref<1x128xf32, #tpu.memory_space<vmem>>, vector<1x128xf32>
    %add3A_43 = arith.addf %get3A_39, %get3A_42 : vector<1x128xf32>
    %add3A_44 = vector.broadcast %add3A_43 : vector<1x128xf32> to vector<10000x128xf32>
    %add3A_45 = arith.addf %add3A_36, %add3A_44 : vector<10000x128xf32>
    %max3A = arith.constant 0.000000e+00 : f32
    %max3A_46 = vector.broadcast %max3A : f32 to vector<10000x128xf32>
    %max3A_47 = arith.maximumf %add3A_45, %max3A_46 : vector<10000x128xf32>
    %get3A_48 = arith.constant 0 : index
    %get3A_49 = vector.load %arg7[%get3A_48] : memref<128xf32, #tpu.memory_space<vmem>>, vector<128xf32>
    %reshape3A = vector.shape_cast %get3A_49 : vector<128xf32> to vector<1x128xf32>
    %mul3A_50 = vector.broadcast %reshape3A : vector<1x128xf32> to vector<10000x128xf32>
    %mul3A_51 = arith.mulf %max3A_47, %mul3A_50 : vector<10000x128xf32>
    %reduce_sum3A = arith.constant dense<0.000000e+00> : vector<10000xf32>
    %reduce_sum3A_52 = vector.multi_reduction <add>, %mul3A_51, %reduce_sum3A [1] : vector<10000x128xf32> to vector<10000xf32>
    %get3A_53 = arith.constant 0 : index
    %get3A_54 = vector.load %arg8[%get3A_53] : memref<1xf32, #tpu.memory_space<vmem>>, vector<1xf32>
    %get3A_55 = vector.extract %get3A_54[0] : f32 from vector<1xf32>
    %add3A_56 = vector.broadcast %get3A_55 : f32 to vector<10000xf32>
    %add3A_57 = arith.addf %reduce_sum3A_52, %add3A_56 : vector<10000xf32>
    %swap3A = arith.constant 0 : index
    %swap3A_58 = vector.load %arg9[%swap3A] : memref<10000xf32, #tpu.memory_space<vmem>>, vector<10000xf32>
    tpu.vector_store %arg9[%swap3A], %add3A_57 {strides = array<i32>} : memref<10000xf32, #tpu.memory_space<vmem>>, vector<10000xf32>,
    return
  }
}

</mosaic_0001>

<sc_bundles>
// kernel: kernel.6.cloned.1.call-start
scs
__scs_entry_jumppad:
0x0: {  	(pc) =	sbr.rel $0x88, $3  }
0x1: {  	(tag) =	ssettag $0x0;
	lr =	simm.s32 $0x1  }
0x2: {  	[smem:$0x3F99] =	sst lr;
	_ =	strace $0xD0000000  }
0x3: {  	_ = 	snop  }
0x4: {  	_ = 	snop  }
0x5: {  	_ = 	snop  }
0x6: {  	_ = 	snop  }
0x7: {  	_ = 	snop  }
__scs_overlays_trampoline_lowered:
0x8: {  	[smem:$0x3FA8] =	sst s0  }
0x9: {  	[smem:$0x3FA9] =	sst s1  }
0xa: {  	[smem:$0x3FAA] =	sst s2  }
0xb: {  	[smem:$0x3FAB] =	sst s3  }
0xc: {  	[smem:$0x3FAC] =	sst s4  }
0xd: {  	[smem:$0x3FAD] =	sst s5  }
0xe: {  	[smem:$0x3FAE] =	sst s6  }
0xf: {  	[smem:$0x3FAF] =	sst s7  }
0x10: {  	[smem:$0x3FB0] =	sst s8  }
0x11: {  	[smem:$0x3FB1] =	sst s9;
	s0 =	simm.s32 @!p0 $0x0  }
0x12: {  	s1 =	sld [smem:$0x3F97];
	s0 =	simm.s32 @p0 $0x1  }
0x13: {  	[smem:$0x3FB2] =	sst s0;
	s0 =	simm.s32 @!p1 $0x0  }
0x14: {  	s2 =	sld [smem:$0x3F96];
	s0 =	simm.s32 @p1 $0x1  }
0x15: {  	[smem:$0x3FB3] =	sst s0;
	s0 =	simm.s32 @!p2 $0x0  }
0x16: {  	s3 =	sld [smem:$0x3FDB];
	s0 =	simm.s32 @p2 $0x1  }
0x17: {  	s4 =	simm.s32 $0x1BF5;
	[smem:$0x3FB5] =	sst s0  }
0x18: {  	s0 =	sld [smem:$0x3F98];
	_ =	swait.ge [sflag:s4], $0x0  }
0x19: {  	s7 =	sld [smem:$0x3F99]  }
0x1a: {  	s8 =	sadd.s32 $0xFFFFE003, lr  }
0x1b: {  	s9 =	sadd.s32 $0xFFFFFEF7, lr;
	s5 =	simm.s32 $0xFFFFFFFF;
	p2 =	slt.u32 s8, $0xFFFFF086  }
0x1c: {  	p1 =	slt.u32 s9, $0xF7A;
	s5 =	simm.s32 @!p2 $0x0  }
0x1d: {  	s5 =	simm.s32 @p1 $0x1;
	p0 =	seq.s32 s7, s2  }
0x1e: {  	s7 =	smul.u32 @!p0 $0xF7A, s2;
	p2 =	seq.s32 @!p0 s5, $0x0  }
0x1f: {  	s9 =	smul.u32 $0xF7A, s1;
	s8 =	simm.s32 @!p0 $0x1BF5;
	p2 =	por !p2, p0  }
0x20: {  	[sflag:s8] =	ssyncset.s32 @!p0 $0xFFFFF086;
	s6 =	sadd.s32 @!p0 s3, s7;
	s7 =	simm.s32 @!p0 $0x108  }
0x21: {  	s3 =	sadd.s32 s3, s9;
	s6 =	sadd.s32 @!p0 $0x88, s6;
	s7 =	simm.s32 @p2 $0x1082  }
0x22: {  	[simem:s7], [sflag:s8] =	dma.local @!p0 [hbm:s6], $0xF7A  }
0x23: {  	s9 =	sor.u32 $0xD0000000, s2;
	s6 =	simm.s32 $0x108;
	_ =	swait.ge @!p0 [sflag:s8], $0x0  }
0x24: {  	s3 =	sadd.s32 $0x88, s3;
	s6 =	simm.s32 @!p1 $0x1082;
	[sflag:s4] =	ssyncset.s32 $0xFFFFF086  }
0x25: {  	[simem:s6], [sflag:s4] =	dma.local [hbm:s3], $0xF7A  }
0x26: {  	[smem:$0x3F99] =	sst s1;
	(tag) =	ssettag s2;
	_ =	strace s9  }
0x27: {  	s1 =	sld [smem:$0x3FA9]  }
0x28: {  	s2 =	sld [smem:$0x3FAA]  }
0x29: {  	s4 =	sld [smem:$0x3FAC]  }
0x2a: {  	p0 =	seq.s32 s5, $0x0;
	s5 =	sld [smem:$0x3FAD]  }
0x2b: {  	s6 =	sld [smem:$0x3FAE]  }
0x2c: {  	s7 =	sld [smem:$0x3FAF]  }
0x2d: {  	s3 =	simm.s32 $0x108;
	s8 =	sld [smem:$0x3FB0]  }
0x2e: {  	s3 =	simm.s32 @!p0 $0x1082;
	s9 =	sld [smem:$0x3FB1]  }
0x2f: {  	lr =	sadd.s32 s0, s3;
	s0 =	sld [smem:$0x3FA8]  }
0x30: {  	s3 =	sld [smem:$0x3FAB]  }
0x31: {  	[smem:$0x3FB4] =	sst s10  }
0x32: {  	s10 =	sld [smem:$0x3FB2];
	_ =	sdelay $0x3  }
0x33: {  	p0 =	seq.s32 s10, $0x1;
	s10 =	sld [smem:$0x3FB4];
	_ =	sdelay $0x3  }
0x34: {  	[smem:$0x3FB4] =	sst s10  }
0x35: {  	s10 =	sld [smem:$0x3FB3];
	_ =	sdelay $0x3  }
0x36: {  	p1 =	seq.s32 s10, $0x1;
	s10 =	sld [smem:$0x3FB4];
	_ =	sdelay $0x3  }
0x37: {  	[smem:$0x3FB4] =	sst s10  }
0x38: {  	s10 =	sld [smem:$0x3FB5]  }
0x39: {  	_ = 	snop;
	(pc) =	sbr.ind lr, $3  }
0x3a: {  	_ = 	snop  }
0x3b: {  	_ = 	snop  }
0x3c: {  	p2 =	seq.s32 s10, $0x1;
	s10 =	sld [smem:$0x3FB4]  }
0x3d: {  	_ =	shalt  }
0x3e: {  	_ =	shalt  }
0x3f: {  	_ =	shalt  }
0x40: {  	_ =	shalt  }
0x41: {  	_ =	shalt  }
0x42: {  	_ =	shalt  }
0x43: {  	_ =	shalt  }
0x44: {  	_ =	shalt  }
0x45: {  	_ =	shalt  }
0x46: {  	_ =	shalt  }
0x47: {  	_ =	shalt  }
0x48: {  	_ =	shalt  }
0x49: {  	_ =	shalt  }
0x4a: {  	_ =	shalt  }
0x4b: {  	_ =	shalt  }
0x4c: {  	_ =	shalt  }
0x4d: {  	_ =	shalt  }
0x4e: {  	_ =	shalt  }
0x4f: {  	_ =	shalt  }
0x50: {  	_ =	shalt  }
0x51: {  	_ =	shalt  }
0x52: {  	_ =	shalt  }
0x53: {  	_ =	shalt  }
0x54: {  	_ =	shalt  }
0x55: {  	_ =	shalt  }
0x56: {  	_ =	shalt  }
0x57: {  	_ =	shalt  }
0x58: {  	_ =	shalt  }
0x59: {  	_ =	shalt  }
0x5a: {  	_ =	shalt  }
0x5b: {  	_ =	shalt  }
0x5c: {  	_ =	shalt  }
0x5d: {  	_ =	shalt  }
0x5e: {  	_ =	shalt  }
0x5f: {  	_ =	shalt  }
0x60: {  	_ =	shalt  }
0x61: {  	_ =	shalt  }
0x62: {  	_ =	shalt  }
0x63: {  	_ =	shalt  }
0x64: {  	_ =	shalt  }
0x65: {  	_ =	shalt  }
0x66: {  	_ =	shalt  }
0x67: {  	_ =	shalt  }
0x68: {  	_ =	shalt  }
0x69: {  	_ =	shalt  }
0x6a: {  	_ =	shalt  }
0x6b: {  	_ =	shalt  }
0x6c: {  	_ =	shalt  }
0x6d: {  	_ =	shalt  }
0x6e: {  	_ =	shalt  }
0x6f: {  	_ =	shalt  }
0x70: {  	_ =	shalt  }
0x71: {  	_ =	shalt  }
0x72: {  	_ =	shalt  }
0x73: {  	_ =	shalt  }
0x74: {  	_ =	shalt  }
0x75: {  	_ =	shalt  }
0x76: {  	_ =	shalt  }
0x77: {  	_ =	shalt  }
0x78: {  	_ =	shalt  }
0x79: {  	_ =	shalt  }
0x7a: {  	_ =	shalt  }
0x7b: {  	_ =	shalt  }
0x7c: {  	_ =	shalt  }
0x7d: {  	_ =	shalt  }
0x7e: {  	_ =	shalt  }
0x7f: {  	_ =	shalt  }
0x80: {  	_ =	shalt  }
0x81: {  	_ =	shalt  }
0x82: {  	_ =	shalt  }
0x83: {  	_ =	shalt  }
0x84: {  	_ =	shalt  }
0x85: {  	_ =	shalt  }
0x86: {  	_ =	shalt  }
0x87: {  	_ =	shalt  }
.Lfunc_end0:
.L_simem_size_0:
called_computation_lowered:
.L_overlay_start_0:
0x88: {  	s2 =	sld [smem:$0x3FD9]  }
0x89: {  	s3 =	sld [smem:$0x3FFE];
	_ =	sdelay $0x1  }
0x8a: {  	s1 =	srdreg.scid  }
0x8b: {  	s0 =	sand.u32 $0x1, s1  }
0x8c: {  	s17 =	sshll.u32 s0, $0xA;
	s2 =	sadd.s32 s3, s2  }
0x8d: {  	s2 =	sadd.s32 s2, s17  }
0x8e: {  	[smem:$0x3FC0] =	sst s2  }
0x8f: {  	_ = 	snop  }
0x90: {  	s2 =	sld [smem:$0x3FD0];
	(tm) =	ssettm $0x1  }
0x91: {  	s18 =	sld [smem:$0x3FFB];
	_ =	sdelay $0x3  }
0x92: {  	_ =	strace s18  }
0x93: {  	s3 =	sld [smem:$0x3FFC];
	_ =	sdelay $0x3  }
0x94: {  	_ =	strace s3  }
0x95: {  	s3 =	sld [smem:$0x3FFD];
	_ =	sdelay $0x3  }
0x96: {  	_ =	strace s3  }
0x97: {  	_ =	strace $0x8FFFFFFF  }
0x98: {  	s19 =	sld [smem:$0x3FDB];
	_ =	sdelay $0x1  }
0x99: {  	s4 =	simm.s32 $_scs_section_size  }
0x9a: {  	s5 =	simm.s32 $_size__tile_overlayer_lowered;
	s6 =	simm.s32 $_tile_overlayer_lowered  }
0x9b: {  	s22 =	simm.s32 $0x1BFF;
	s21 =	sshll.u32 s6, $0x1;
	s3 =	sadd.s32 s4, s19  }
0x9c: {  	s7 =	simm.s32 $0x0;
	s20 =	sshll.u32 s5, $0x1;
	s5 =	sadd.s32 s21, s3  }
0x9d: {  	[timem:s7], [sflag:s22] =	dma.local [hbm:s5], s20  }
0x9e: {  	_ =	swait.ge [sflag:s22], s20  }
0x9f: {  	s4 =	ssub.s32 $0x0, s20;
	[sflag:s22] =	ssyncset.done $0x0  }
0xa0: {  	[sflag:s22] =	ssyncadd.s32 s4;
	_ =	sdelay $0x1  }
0xa1: {  	s23 =	simm.s32 $0x1B8B  }
0xa2: {  	_ =	swait.ge [sflag:s23], $0x1  }
0xa3: {  	[sflag:s23] =	ssyncset.done $0x0  }
0xa4: {  	s25 =	simm.s32 $0x1B8E;
	s24 =	sld [smem:$0x3FFE];
	[sflag:s23] =	ssyncadd.s32 $0xFFFFFFFF  }
0xa5: {  	s26 =	simm.s32 $execute0_lowered;
	[smem:$0x3FD2] =	sst s25  }
0xa6: {  	s5 =	sshll.u32 s26, $0x1;
	_ =	strace $0x80000046;
	[dreg:$0x1] =	wrdreg $0xFFFFFFFF  }
0xa7: {  	s28 =	simm.s32 $_size_execute0_lowered;
	s3 =	sadd.s32 s3, s5;
	[dreg:$0x0] =	wrdreg $0x0  }
0xa8: {  	s5 =	sshll.u32 s28, $0x1;
	[dreg:$0x2] =	wrdreg s3  }
0xa9: {  	[dreg:$0x3] =	wrdreg s5  }
0xaa: {  	[dreg:$0x4] =	wrdreg $0xC0  }
0xab: {  	_ =	task [dreg:s7], $0x5FFFF  }
0xac: {  	[dreg:$0x1] =	wrdreg $0xFFFFFFFF  }
0xad: {  	[dreg:$0x0] =	wrdreg $0x60  }
0xae: {  	[dreg:$0x2] =	wrdreg s24  }
0xaf: {  	[dreg:$0x3] =	wrdreg s2  }
0xb0: {  	[dreg:$0x4] =	wrdreg $0x0  }
0xb1: {  	[dreg:$0x5] =	wrdreg $0x9  }
0xb2: {  	_ =	task.clear_ibuf [dreg:s7], $0x6FFFF;
	_ =	strace $0x90000046  }
0xb3: {  	s29 =	simm.s32 $0x9;
	_ =	strace $0x80000048  }
0xb4: {  	_ =	swait.ge [sflag:s29], $0x1  }
0xb5: {  	[sflag:s29] =	ssyncadd.s32 $0xFFFFFFFF  }
0xb6: {  	_ =	strace $0x90000048  }
0xb7: {  	_ =	sfence  }
0xb8: {  	s30 =	sld [smem:$0x0];
	_ =	sdelay $0x2  }
0xb9: {  	s31 =	sshll.u32 s1, $0xD;
	s1 =	sshrl.u32 s1, $0x2  }
0xba: {  	s3 =	sand.u32 $0x4000, s31;
	s1 =	sadd.s32 s1, s30  }
0xbb: {  	s0 =	sor.u32 s3, s0;
	s1 =	sshll.u32 s1, $0x11  }
0xbc: {  	s0 =	sor.u32 s1, s0  }
0xbd: {  	s0 =	sadd.s32 $0x8F2B, s0  }
0xbe: {  	[sflag:s0] =	ssyncadd.remote.s32 $0x1  }
0xbf: {  	_ =	sfence.sel $0xFFFF  }
0xc0: {  	[dreg:$0x0] =	wrdreg $0xFFFFFFFF;
	(pc) =	sbr.abs _section_cstart, $3  }
0xc1: {  	[dreg:$0x1] =	wrdreg $0xFFFFFFFF  }
0xc2: {  	_ =	task.clear_ibuf [dreg:s7], $0x2FFFF;
	_ =	strace $0x9FFFFFFF  }
0xc3: {  	(tm) =	ssettm $0x7FFFFFFF  }
tec
execute0_lowered:
.L_overlay_start_1:
0x0: {  	(tag) =	ssettag $0x1  }
0x1: {  	s7 =	rddreg [dreg:$0x0]  }
0x2: {  	s2 =	rddreg [dreg:$0x1]  }
0x3: {  	s3 =	rddreg [dreg:$0x2]  }
0x4: {  	s0 =	rddreg [dreg:$0x3]  }
0x5: {  	s1 =	stileid.u32;
	s6 =	srdreg.scid;
	s4 =	simm.s32 $0x0  }
0x6: {  	s13 =	simm.s32 $0x4F80;
	s14 =	simm.s32 $0x2780;
	s15 =	simm.s32 $0x80  }
0x7: {  	s16 =	simm.s32 $0x1;
	s17 =	simm.s32 $0x5780;
	s5 =	smul.u32 $0x2780, s1  }
0x8: {  	s18 =	simm.s32 $0x0;
	s6 =	sand.u32 $0x1, s6;
	s8 =	smul.u32 $0x4F0, s1  }
0x9: {  	[smem:$0x7FF] =	sst s4;
	s31 =	sshll.u32 s1, $0x6;
	s9 =	smul.u32 $0x4F00, s6  }
0xa: {  	s10 =	sshll.u32 s6, $0x4;
	_ =	strace $0x80000047;
	s6 =	ssub.s32 $0x2, s6  }
0xb: {  	s11 =	sshrl.u32 s5, $0x3;
	s10 =	sor.u32 s1, s10;
	s29 =	sshrl.u32 s6, $0x1  }
0xc: {  	s5 =	sadd.s32 s5, s3;
	s8 =	sadd.s32 s8, s9;
	s25 =	smul.u32 $0x2800, s10  }
0xd: {  	s26 =	sadd.s32 s11, s7;
	s12 =	ssub.s32 s6, s29;
	s11 =	sshrl.u32 s5, $0x3  }
0xe: {  	s28 =	sadd.s32 s8, s7;
	s6 =	sadd.s32 $0x15A00, s26;
	s30 =	sshrl.u32 s25, $0x3  }
0xf: {  	s10 =	smax.u32 s12, $0x1;
	s12 =	simm.s32 $0x2;
	s8 =	sadd.s32 s7, s30  }
0x10: {  	s9 =	sadd.s32 $0x1AA00, s28;
	s7 =	sor.u32 $0x1C02, s31;
	s8 =	sadd.s32 $0xBA00, s8  }
.LBB2_1:
0x11: {  	[spmem:s11], [sflag:s7] =	dma.local [hbm:s6], $0x4F0  }
0x12: {  	_ =	swait.ge [sflag:s12], $0x4F0  }
0x13: {  	[sflag:s12] =	ssyncset.done $0x0  }
0x14: {  	[sflag:s12] =	ssyncadd.s32 $0xFFFFFB10  }
0x15: {  	[tilespmem:s13], [sflag:$0x2] =	stream.linear.gather [hbm4b:s2+s4], $0x800, $0x38;
	[tilespmem:$0x7F00] =	vst v63  }
0x16: {  	_ =	swait.ge [sflag:s12], $0x800  }
0x17: {  	[sflag:s12] =	ssyncset.done $0x0  }
0x18: {  	[sflag:s12] =	ssyncadd.s32 $0xFFFFF800  }
0x19: {  	[tilespmem:s14], [sflag:$0x2] =	stream.linear.gather [hbm4b:s8+s4], $0x2800, $0x38;
	[tilespmem:$0x7F00] =	vst v63  }
0x1a: {  	_ =	swait.ge [sflag:s12], $0x2800  }
0x1b: {  	[sflag:s12] =	ssyncset.done $0x0  }
0x1c: {  	[sflag:s12] =	ssyncadd.s32 $0xFFFFD800  }
0x1d: {  	s19 =	simm.s32 $0x0;
	[bflag:$0x0] =	sbarrier.arrive $0xFFFF  }
.LBB2_2:
0x1e: {  	p0 =	sne.s32 s19, $0x9E00  }
.Ltmp0:
0x1f: {  	_ = 	snop;
	(pc) =	sbr.rel @p0 .LBB2_2-.Ltmp0, $4  }
0x20: {  	_ = 	snop  }
0x21: {  	s20 =	sshra.s32 s19, $0x2  }
0x22: {  	s19 =	sadd.s32 $0x200, s19;
	s20 =	sadd.s32 $0x2780, s20  }
0x23: {  	[spmem:s3] =	stream.indirect.scatter.add.f32 [tilespmem:s13], [sflag:$0x1], $0x10, s20, s15, $0xb8;
	[tilespmem:$0x7F00] =	vst v63  }
0x24: {  	_ =	swait.ge [sflag:s16], $0x800  }
0x25: {  	s19 =	simm.s32 $0x4F;
	[sflag:s16] =	ssyncset.done $0x0  }
.LBB2_4:
0x26: {  	p0 =	sne.s32 s19, $0x1;
	s19 =	sadd.s32 $0xFFFFFFFF, s19;
	[sflag:s16] =	ssyncadd.s32 $0xFFFFF800  }
.Ltmp1:
0x27: {  	(pc) =	sbr.rel @p0 .LBB2_4-.Ltmp1, $3  }
0x28: {  	_ =	sdelay $0x1  }
0x29: {  	_ =	swait.ge [sflag:s16], $0x800  }
0x2a: {  	[sflag:s16] =	ssyncset.done $0x0  }
0x2b: {  	[sflag:s16] =	ssyncadd.s32 $0xFFFFF800  }
0x2c: {  	[bflag:$0x0] =	sbarrier.arrive $0xFFFF  }
0x2d: {  	[tilespmem:s17], [sflag:$0x2] =	stream.linear.gather [spmem:s5], $0x2780, $0x38;
	[tilespmem:$0x7F00] =	vst v63  }
0x2e: {  	s18 =	sadd.s32 $0x1, s18;
	_ =	swait.ge [sflag:s12], $0x2780  }
0x2f: {  	p0 =	sne.s32 s18, s10;
	[sflag:s12] =	ssyncset.done $0x0  }
.Ltmp2:
0x30: {  	[sflag:s12] =	ssyncadd.s32 $0xFFFFD880;
	(pc) =	sbr.rel @p0 .LBB2_1-.Ltmp2, $4  }
0x31: {  	[hbm4b:s9+s4] =	stream.linear.scatter [tilespmem:s17], [sflag:$0x2], $0x2780, $0x38;
	[tilespmem:$0x7F00] =	vst v63  }
0x32: {  	_ =	swait.ge [sflag:s12], $0x2780  }
0x33: {  	[sflag:s12] =	ssyncset.done $0x0  }
0x34: {  	[sflag:s12] =	ssyncadd.s32 $0xFFFFD880  }
0x35: {  	_ =	sfence.sel $0x180000  }
0x36: {  	[bflag:$0x0] =	sbarrier.arrive $0xFFFF  }
0x37: {  	p0 =	sne.s32 s1, $0x0;
	_ =	strace $0x90000047  }
0x38: {  	s0 =	sadd.s32 @!p0 $0x100000, s0;
	[bflag:$0x2] =	sbarrier.arrive $0xFFFF  }
0x39: {  	[sflag:s0] =	ssyncadd.tile.s32 @!p0 $0x1;
	_ =	shalt  }
.Lfunc_end2:
_tile_overlayer_lowered:
.L_overlay_start_2:
0x3a: {  	(tag) =	ssettag $0x2  }
0x3b: {  	s0 =	rddreg [dreg:$0x0];
	s2 =	stileid.u32  }
0x3c: {  	s1 =	rddreg [dreg:$0x1];
	p0 =	sne.s32 s2, $0x0  }
0x3d: {  	s3 =	rddreg [dreg:$0x2];
	[bflag:$0x3] =	sbarrier.arrive $0xFFFF;
	s2 =	simm.s32 @!p0 $0x1C02  }
0x3e: {  	[timem:s3], [sflag:s2] =	dma.local @!p0 [hbm:s0], s1  }
0x3f: {  	s0 =	simm.s32 @!p0 $0x2  }
0x40: {  	_ =	swait.ge @!p0 [sflag:s0], s1  }
0x41: {  	s1 =	ssub.s32 @!p0 $0x0, s1;
	[sflag:s0] =	ssyncset.done @!p0 $0x0  }
0x42: {  	[sflag:s0] =	ssyncadd.s32 @!p0 s1  }
0x43: {  	[bflag:$0x3] =	sbarrier.arrive $0xFFFF  }
0x44: {  	_ =	shalt  }

// kernel: kernel.9.cloned.1.call-start
scs
__scs_entry_jumppad:
0x0: {  	(pc) =	sbr.rel $0x88, $3  }
0x1: {  	(tag) =	ssettag $0x0;
	lr =	simm.s32 $0x1  }
0x2: {  	[smem:$0x3F99] =	sst lr;
	_ =	strace $0xD0000000  }
0x3: {  	_ = 	snop  }
0x4: {  	_ = 	snop  }
0x5: {  	_ = 	snop  }
0x6: {  	_ = 	snop  }
0x7: {  	_ = 	snop  }
__scs_overlays_trampoline_lowered:
0x8: {  	[smem:$0x3FA8] =	sst s0  }
0x9: {  	[smem:$0x3FA9] =	sst s1  }
0xa: {  	[smem:$0x3FAA] =	sst s2  }
0xb: {  	[smem:$0x3FAB] =	sst s3  }
0xc: {  	[smem:$0x3FAC] =	sst s4  }
0xd: {  	[smem:$0x3FAD] =	sst s5  }
0xe: {  	[smem:$0x3FAE] =	sst s6  }
0xf: {  	[smem:$0x3FAF] =	sst s7  }
0x10: {  	[smem:$0x3FB0] =	sst s8  }
0x11: {  	[smem:$0x3FB1] =	sst s9;
	s0 =	simm.s32 @!p0 $0x0  }
0x12: {  	s1 =	sld [smem:$0x3F97];
	s0 =	simm.s32 @p0 $0x1  }
0x13: {  	[smem:$0x3FB2] =	sst s0;
	s0 =	simm.s32 @!p1 $0x0  }
0x14: {  	s2 =	sld [smem:$0x3F96];
	s0 =	simm.s32 @p1 $0x1  }
0x15: {  	[smem:$0x3FB3] =	sst s0;
	s0 =	simm.s32 @!p2 $0x0  }
0x16: {  	s3 =	sld [smem:$0x3FDB];
	s0 =	simm.s32 @p2 $0x1  }
0x17: {  	s4 =	simm.s32 $0x1BF5;
	[smem:$0x3FB5] =	sst s0  }
0x18: {  	s0 =	sld [smem:$0x3F98];
	_ =	swait.ge [sflag:s4], $0x0  }
0x19: {  	s7 =	sld [smem:$0x3F99]  }
0x1a: {  	s8 =	sadd.s32 $0xFFFFE003, lr  }
0x1b: {  	s9 =	sadd.s32 $0xFFFFFEF7, lr;
	s5 =	simm.s32 $0xFFFFFFFF;
	p2 =	slt.u32 s8, $0xFFFFF086  }
0x1c: {  	p1 =	slt.u32 s9, $0xF7A;
	s5 =	simm.s32 @!p2 $0x0  }
0x1d: {  	s5 =	simm.s32 @p1 $0x1;
	p0 =	seq.s32 s7, s2  }
0x1e: {  	s7 =	smul.u32 @!p0 $0xF7A, s2;
	p2 =	seq.s32 @!p0 s5, $0x0  }
0x1f: {  	s9 =	smul.u32 $0xF7A, s1;
	s8 =	simm.s32 @!p0 $0x1BF5;
	p2 =	por !p2, p0  }
0x20: {  	[sflag:s8] =	ssyncset.s32 @!p0 $0xFFFFF086;
	s6 =	sadd.s32 @!p0 s3, s7;
	s7 =	simm.s32 @!p0 $0x108  }
0x21: {  	s3 =	sadd.s32 s3, s9;
	s6 =	sadd.s32 @!p0 $0x88, s6;
	s7 =	simm.s32 @p2 $0x1082  }
0x22: {  	[simem:s7], [sflag:s8] =	dma.local @!p0 [hbm:s6], $0xF7A  }
0x23: {  	s9 =	sor.u32 $0xD0000000, s2;
	s6 =	simm.s32 $0x108;
	_ =	swait.ge @!p0 [sflag:s8], $0x0  }
0x24: {  	s3 =	sadd.s32 $0x88, s3;
	s6 =	simm.s32 @!p1 $0x1082;
	[sflag:s4] =	ssyncset.s32 $0xFFFFF086  }
0x25: {  	[simem:s6], [sflag:s4] =	dma.local [hbm:s3], $0xF7A  }
0x26: {  	[smem:$0x3F99] =	sst s1;
	(tag) =	ssettag s2;
	_ =	strace s9  }
0x27: {  	s1 =	sld [smem:$0x3FA9]  }
0x28: {  	s2 =	sld [smem:$0x3FAA]  }
0x29: {  	s4 =	sld [smem:$0x3FAC]  }
0x2a: {  	p0 =	seq.s32 s5, $0x0;
	s5 =	sld [smem:$0x3FAD]  }
0x2b: {  	s6 =	sld [smem:$0x3FAE]  }
0x2c: {  	s7 =	sld [smem:$0x3FAF]  }
0x2d: {  	s3 =	simm.s32 $0x108;
	s8 =	sld [smem:$0x3FB0]  }
0x2e: {  	s3 =	simm.s32 @!p0 $0x1082;
	s9 =	sld [smem:$0x3FB1]  }
0x2f: {  	lr =	sadd.s32 s0, s3;
	s0 =	sld [smem:$0x3FA8]  }
0x30: {  	s3 =	sld [smem:$0x3FAB]  }
0x31: {  	[smem:$0x3FB4] =	sst s10  }
0x32: {  	s10 =	sld [smem:$0x3FB2];
	_ =	sdelay $0x3  }
0x33: {  	p0 =	seq.s32 s10, $0x1;
	s10 =	sld [smem:$0x3FB4];
	_ =	sdelay $0x3  }
0x34: {  	[smem:$0x3FB4] =	sst s10  }
0x35: {  	s10 =	sld [smem:$0x3FB3];
	_ =	sdelay $0x3  }
0x36: {  	p1 =	seq.s32 s10, $0x1;
	s10 =	sld [smem:$0x3FB4];
	_ =	sdelay $0x3  }
0x37: {  	[smem:$0x3FB4] =	sst s10  }
0x38: {  	s10 =	sld [smem:$0x3FB5]  }
0x39: {  	_ = 	snop;
	(pc) =	sbr.ind lr, $3  }
0x3a: {  	_ = 	snop  }
0x3b: {  	_ = 	snop  }
0x3c: {  	p2 =	seq.s32 s10, $0x1;
	s10 =	sld [smem:$0x3FB4]  }
0x3d: {  	_ =	shalt  }
0x3e: {  	_ =	shalt  }
0x3f: {  	_ =	shalt  }
0x40: {  	_ =	shalt  }
0x41: {  	_ =	shalt  }
0x42: {  	_ =	shalt  }
0x43: {  	_ =	shalt  }
0x44: {  	_ =	shalt  }
0x45: {  	_ =	shalt  }
0x46: {  	_ =	shalt  }
0x47: {  	_ =	shalt  }
0x48: {  	_ =	shalt  }
0x49: {  	_ =	shalt  }
0x4a: {  	_ =	shalt  }
0x4b: {  	_ =	shalt  }
0x4c: {  	_ =	shalt  }
0x4d: {  	_ =	shalt  }
0x4e: {  	_ =	shalt  }
0x4f: {  	_ =	shalt  }
0x50: {  	_ =	shalt  }
0x51: {  	_ =	shalt  }
0x52: {  	_ =	shalt  }
0x53: {  	_ =	shalt  }
0x54: {  	_ =	shalt  }
0x55: {  	_ =	shalt  }
0x56: {  	_ =	shalt  }
0x57: {  	_ =	shalt  }
0x58: {  	_ =	shalt  }
0x59: {  	_ =	shalt  }
0x5a: {  	_ =	shalt  }
0x5b: {  	_ =	shalt  }
0x5c: {  	_ =	shalt  }
0x5d: {  	_ =	shalt  }
0x5e: {  	_ =	shalt  }
0x5f: {  	_ =	shalt  }
0x60: {  	_ =	shalt  }
0x61: {  	_ =	shalt  }
0x62: {  	_ =	shalt  }
0x63: {  	_ =	shalt  }
0x64: {  	_ =	shalt  }
0x65: {  	_ =	shalt  }
0x66: {  	_ =	shalt  }
0x67: {  	_ =	shalt  }
0x68: {  	_ =	shalt  }
0x69: {  	_ =	shalt  }
0x6a: {  	_ =	shalt  }
0x6b: {  	_ =	shalt  }
0x6c: {  	_ =	shalt  }
0x6d: {  	_ =	shalt  }
0x6e: {  	_ =	shalt  }
0x6f: {  	_ =	shalt  }
0x70: {  	_ =	shalt  }
0x71: {  	_ =	shalt  }
0x72: {  	_ =	shalt  }
0x73: {  	_ =	shalt  }
0x74: {  	_ =	shalt  }
0x75: {  	_ =	shalt  }
0x76: {  	_ =	shalt  }
0x77: {  	_ =	shalt  }
0x78: {  	_ =	shalt  }
0x79: {  	_ =	shalt  }
0x7a: {  	_ =	shalt  }
0x7b: {  	_ =	shalt  }
0x7c: {  	_ =	shalt  }
0x7d: {  	_ =	shalt  }
0x7e: {  	_ =	shalt  }
0x7f: {  	_ =	shalt  }
0x80: {  	_ =	shalt  }
0x81: {  	_ =	shalt  }
0x82: {  	_ =	shalt  }
0x83: {  	_ =	shalt  }
0x84: {  	_ =	shalt  }
0x85: {  	_ =	shalt  }
0x86: {  	_ =	shalt  }
0x87: {  	_ =	shalt  }
.Lfunc_end0:
.L_simem_size_0:
called_computation.1_lowered:
.L_overlay_start_0:
0x88: {  	s2 =	sld [smem:$0x3FD9]  }
0x89: {  	s3 =	sld [smem:$0x3FFE];
	_ =	sdelay $0x1  }
0x8a: {  	s1 =	srdreg.scid  }
0x8b: {  	s0 =	sand.u32 $0x1, s1  }
0x8c: {  	s16 =	sshll.u32 s0, $0xA;
	s2 =	sadd.s32 s3, s2  }
0x8d: {  	s2 =	sadd.s32 s2, s16  }
0x8e: {  	[smem:$0x3FC0] =	sst s2  }
0x8f: {  	_ = 	snop  }
0x90: {  	(tm) =	ssettm $0x1  }
0x91: {  	s17 =	sld [smem:$0x3FFB];
	_ =	sdelay $0x3  }
0x92: {  	_ =	strace s17  }
0x93: {  	s2 =	sld [smem:$0x3FFC];
	_ =	sdelay $0x3  }
0x94: {  	_ =	strace s2  }
0x95: {  	s2 =	sld [smem:$0x3FFD];
	_ =	sdelay $0x3  }
0x96: {  	_ =	strace s2  }
0x97: {  	_ =	strace $0x8FFFFFFF  }
0x98: {  	s18 =	sld [smem:$0x3FDB];
	_ =	sdelay $0x1  }
0x99: {  	s19 =	simm.s32 $_scs_section_size  }
0x9a: {  	s4 =	simm.s32 $_size__tile_overlayer_lowered;
	s5 =	simm.s32 $_tile_overlayer_lowered  }
0x9b: {  	s22 =	simm.s32 $0x1BFF;
	s21 =	sshll.u32 s5, $0x1;
	s2 =	sadd.s32 s19, s18  }
0x9c: {  	s6 =	simm.s32 $0x0;
	s20 =	sshll.u32 s4, $0x1;
	s4 =	sadd.s32 s21, s2  }
0x9d: {  	[timem:s6], [sflag:s22] =	dma.local [hbm:s4], s20  }
0x9e: {  	_ =	swait.ge [sflag:s22], s20  }
0x9f: {  	s3 =	ssub.s32 $0x0, s20;
	[sflag:s22] =	ssyncset.done $0x0  }
0xa0: {  	[sflag:s22] =	ssyncadd.s32 s3;
	_ =	sdelay $0x1  }
0xa1: {  	s23 =	simm.s32 $0x1B8B  }
0xa2: {  	_ =	swait.ge [sflag:s23], $0x1  }
0xa3: {  	[sflag:s23] =	ssyncset.done $0x0  }
0xa4: {  	s25 =	simm.s32 $0x1B8E;
	s24 =	sld [smem:$0x3FFE];
	[sflag:s23] =	ssyncadd.s32 $0xFFFFFFFF  }
0xa5: {  	s26 =	simm.s32 $execute0_lowered;
	[smem:$0x3FD2] =	sst s25  }
0xa6: {  	s4 =	sshll.u32 s26, $0x1;
	_ =	strace $0x80000049;
	[dreg:$0x1] =	wrdreg $0xFFFFFFFF  }
0xa7: {  	s28 =	simm.s32 $_size_execute0_lowered;
	s2 =	sadd.s32 s2, s4;
	[dreg:$0x0] =	wrdreg $0x0  }
0xa8: {  	s4 =	sshll.u32 s28, $0x1;
	[dreg:$0x2] =	wrdreg s2  }
0xa9: {  	[dreg:$0x3] =	wrdreg s4  }
0xaa: {  	[dreg:$0x4] =	wrdreg $0xC0  }
0xab: {  	_ =	task [dreg:s6], $0x5FFFF  }
0xac: {  	[dreg:$0x1] =	wrdreg $0xFFFFFFFF  }
0xad: {  	[dreg:$0x0] =	wrdreg $0x60  }
0xae: {  	[dreg:$0x2] =	wrdreg s24  }
0xaf: {  	[dreg:$0x3] =	wrdreg $0x0  }
0xb0: {  	[dreg:$0x4] =	wrdreg $0x9  }
0xb1: {  	_ =	task.clear_ibuf [dreg:s6], $0x5FFFF;
	_ =	strace $0x90000049  }
0xb2: {  	s29 =	simm.s32 $0x9;
	_ =	strace $0x8000004B  }
0xb3: {  	_ =	swait.ge [sflag:s29], $0x1  }
0xb4: {  	[sflag:s29] =	ssyncadd.s32 $0xFFFFFFFF  }
0xb5: {  	_ =	strace $0x9000004B  }
0xb6: {  	_ =	sfence  }
0xb7: {  	s30 =	sld [smem:$0x0];
	_ =	sdelay $0x2  }
0xb8: {  	s31 =	sshll.u32 s1, $0xD;
	s1 =	sshrl.u32 s1, $0x2  }
0xb9: {  	s3 =	sand.u32 $0x4000, s31;
	s1 =	sadd.s32 s1, s30  }
0xba: {  	s0 =	sor.u32 s3, s0;
	s1 =	sshll.u32 s1, $0x11  }
0xbb: {  	s0 =	sor.u32 s1, s0  }
0xbc: {  	s0 =	sadd.s32 $0x8F2B, s0  }
0xbd: {  	[sflag:s0] =	ssyncadd.remote.s32 $0x1  }
0xbe: {  	_ =	sfence.sel $0xFFFF  }
0xbf: {  	[dreg:$0x0] =	wrdreg $0xFFFFFFFF;
	(pc) =	sbr.abs _section_cstart, $3  }
0xc0: {  	[dreg:$0x1] =	wrdreg $0xFFFFFFFF  }
0xc1: {  	_ =	task.clear_ibuf [dreg:s6], $0x2FFFF;
	_ =	strace $0x9FFFFFFF  }
0xc2: {  	(tm) =	ssettm $0x7FFFFFFF  }
0xc3: {  	_ =	shalt  }
tec
execute0_lowered:
.L_overlay_start_1:
0x0: {  	(tag) =	ssettag $0x1  }
0x1: {  	s0 =	rddreg [dreg:$0x0]  }
0x2: {  	s2 =	rddreg [dreg:$0x1]  }
0x3: {  	s3 =	simm.s32 $0x0;
	s12 =	stileid.u32;
	s4 =	srdreg.scid  }
0x4: {  	s29 =	simm.s32 $0x2;
	s28 =	simm.s32 $0x4;
	s1 =	smul.u32 $0x13C00, s12  }
0x5: {  	s31 =	simm.s32 $0xBE00;
	[smem:$0x7FF] =	sst s3;
	s6 =	smul.u32 $0x278, s12  }
0x6: {  	s5 =	sand.u32 $0x1, s4;
	s7 =	sadd.s32 $0x1A00, s0;
	s30 =	smul.u32 $0x27800, s12  }
0x7: {  	s4 =	sadd.s32 $0x38400, s0;
	s26 =	sshll.u32 s12, $0x6;
	s22 =	smul.u32 $0x500, s12  }
0x8: {  	_ =	strace $0x8000004A;
	s9 =	smul.u32 $0x2780, s5;
	s10 =	sshll.u32 s5, $0x4  }
0x9: {  	s23 =	ssub.s32 $0x2, s5;
	s5 =	smul.u32 $0x5000, s5;
	s8 =	sshrl.u32 s1, $0x4  }
0xa: {  	s10 =	sor.u32 s12, s10;
	s11 =	sshrl.u32 s23, $0x1;
	s1 =	sshrl.u32 s1, $0x1  }
0xb: {  	s8 =	sadd.s32 s8, s0;
	s6 =	sadd.s32 s6, s9;
	s9 =	sadd.s32 s1, s2  }
0xc: {  	s1 =	sshrl.u32 s30, $0x2;
	s24 =	sadd.s32 $0x24800, s8;
	[dreg:$0x3] =	wrdreg s9  }
0xd: {  	s8 =	sor.u32 $0x1C11, s26;
	s1 =	sadd.s32 s1, s2;
	[dreg:$0x4] =	wrdreg s24  }
0xe: {  	s12 =	simm.s32 $0x12080;
	[dreg:$0x6] =	wrdreg s8;
	s19 =	sadd.s32 $0x2000, s1  }
0xf: {  	s10 =	smul.u32 $0x2800, s10;
	s21 =	sadd.s32 $0x4000, s1;
	[dreg:$0xe] =	wrdreg s19  }
0x10: {  	s6 =	sshll.u32 s6, $0x3;
	s24 =	sadd.s32 $0x6000, s1;
	[dreg:$0x10] =	wrdreg s21  }
0x11: {  	s0 =	sadd.s32 s6, s0;
	s1 =	sadd.s32 $0x8000, s1;
	[dreg:$0x12] =	wrdreg s24  }
0x12: {  	s5 =	sadd.s32 s5, s7;
	s18 =	sadd.s32 $0x4C000, s0;
	[dreg:$0x14] =	wrdreg s1  }
0x13: {  	s6 =	ssub.s32 s23, s11;
	s20 =	sadd.s32 $0x4C400, s0;
	[dreg:$0xd] =	wrdreg s18  }
0x14: {  	s25 =	sshrl.u32 s10, $0x3;
	s23 =	sadd.s32 $0x4C800, s0;
	[dreg:$0xf] =	wrdreg s20  }
0x15: {  	s10 =	sadd.s32 s7, s25;
	s25 =	sadd.s32 $0x4CC00, s0;
	[dreg:$0x11] =	wrdreg s23  }
0x16: {  	s8 =	simm.s32 $0xC;
	s0 =	sadd.s32 $0x4D000, s0;
	[dreg:$0x13] =	wrdreg s25  }
0x17: {  	s21 =	sadd.s32 s22, s5;
	s26 =	smax.u32 s6, $0x1;
	[dreg:$0x15] =	wrdreg s0  }
0x18: {  	s24 =	simm.s32 $0x9E00;
	s22 =	simm.s32 $0xFE00;
	[dreg:$0x16] =	wrdreg s26  }
0x19: {  	s1 =	simm.s32 $0xF;
	s11 =	sadd.s32 $0xA000, s10;
	[dreg:$0x5] =	wrdreg s10  }
0x1a: {  	s6 =	simm.s32 $0xB;
	s13 =	sadd.s32 $0x10, s10;
	[dreg:$0x7] =	wrdreg s11  }
0x1b: {  	s5 =	simm.s32 $0x0;
	s14 =	sadd.s32 $0xA010, s10;
	[dreg:$0x8] =	wrdreg s13  }
0x1c: {  	s15 =	sadd.s32 $0x20, s10;
	s16 =	sadd.s32 $0xA020, s10;
	[dreg:$0x9] =	wrdreg s14  }
0x1d: {  	s17 =	sadd.s32 $0x30, s10;
	s30 =	sadd.s32 $0xA030, s10;
	[dreg:$0xa] =	wrdreg s15  }
.Ltmp0:
0x1e: {  	s18 =	simm.s32 $0x11;
	[dreg:$0xb] =	wrdreg s16;
	(pc) =	sbr.rel .LBB2_1-.Ltmp0, $4  }
0x1f: {  	s23 =	simm.s32 $0x12380;
	s26 =	simm.s32 $0xBE00;
	[dreg:$0xc] =	wrdreg s17  }
0x20: {  	s20 =	simm.s32 $0x8;
	s25 =	simm.s32 $0x9;
	[dreg:$0x17] =	wrdreg s30  }
0x21: {  	s16 =	simm.s32 $0x11F80;
	s11 =	simm.s32 $0x80;
	s15 =	simm.s32 $0x7  }
0x22: {  	s14 =	simm.s32 $0xDE00;
	s17 =	simm.s32 $0x1;
	s13 =	simm.s32 $0xA  }
.LBB2_4:
0x23: {  	s0 =	simm.s32 $0xD  }
0x24: {  	_ =	swait.ge [sflag:s0], $0x2000  }
0x25: {  	[sflag:s0] =	ssyncset.done $0x0  }
0x26: {  	s18 =	simm.s32 $0xE;
	[sflag:s0] =	ssyncadd.s32 $0xFFFFE000  }
0x27: {  	_ =	swait.ge [sflag:s18], $0x2000  }
0x28: {  	[sflag:s18] =	ssyncset.done $0x0  }
0x29: {  	[sflag:s18] =	ssyncadd.s32 $0xFFFFE000  }
0x2a: {  	_ =	swait.ge [sflag:s1], $0x2000  }
0x2b: {  	[sflag:s1] =	ssyncset.done $0x0  }
0x2c: {  	s19 =	simm.s32 $0x10;
	[sflag:s1] =	ssyncadd.s32 $0xFFFFE000  }
0x2d: {  	_ =	swait.ge [sflag:s19], $0x2000  }
0x2e: {  	[sflag:s19] =	ssyncset.done $0x0  }
0x2f: {  	[sflag:s19] =	ssyncadd.s32 $0xFFFFE000  }
0x30: {  	[bflag:$0x0] =	sbarrier.arrive $0xFFFF  }
0x31: {  	s24 =	simm.s32 $0x9E00;
	s18 =	simm.s32 $0x11;
	s9 =	rddreg [dreg:$0x3]  }
0x32: {  	[tilespmem:s24], [sflag:$0x11] =	stream.linear.gather [spmem:s9], $0x2000, $0x38;
	[tilespmem:$0x12600] =	vst v63  }
0x33: {  	_ =	swait.ge [sflag:s18], $0x2000  }
0x34: {  	[sflag:s18] =	ssyncset.done $0x0  }
0x35: {  	s23 =	rddreg [dreg:$0xd];
	[sflag:s18] =	ssyncadd.s32 $0xFFFFE000  }
0x36: {  	[hbm4b:s23+s3] =	stream.linear.scatter [tilespmem:s24], [sflag:$0x11], $0x2000, $0x38;
	[tilespmem:$0x12600] =	vst v63  }
0x37: {  	_ =	swait.ge [sflag:s18], $0x2000  }
0x38: {  	[sflag:s18] =	ssyncset.done $0x0  }
0x39: {  	s30 =	rddreg [dreg:$0xe];
	[sflag:s18] =	ssyncadd.s32 $0xFFFFE000  }
0x3a: {  	[tilespmem:s24], [sflag:$0x11] =	stream.linear.gather [spmem:s30], $0x2000, $0x38;
	[tilespmem:$0x12600] =	vst v63  }
0x3b: {  	_ =	swait.ge [sflag:s18], $0x2000  }
0x3c: {  	[sflag:s18] =	ssyncset.done $0x0  }
0x3d: {  	s5 =	rddreg [dreg:$0xf];
	[sflag:s18] =	ssyncadd.s32 $0xFFFFE000  }
0x3e: {  	[hbm4b:s5+s3] =	stream.linear.scatter [tilespmem:s24], [sflag:$0x11], $0x2000, $0x38;
	[tilespmem:$0x12600] =	vst v63  }
0x3f: {  	_ =	swait.ge [sflag:s18], $0x2000  }
0x40: {  	[sflag:s18] =	ssyncset.done $0x0  }
0x41: {  	s7 =	rddreg [dreg:$0x10];
	[sflag:s18] =	ssyncadd.s32 $0xFFFFE000  }
0x42: {  	[tilespmem:s24], [sflag:$0x11] =	stream.linear.gather [spmem:s7], $0x2000, $0x38;
	[tilespmem:$0x12600] =	vst v63  }
0x43: {  	_ =	swait.ge [sflag:s18], $0x2000  }
0x44: {  	[sflag:s18] =	ssyncset.done $0x0  }
0x45: {  	s10 =	rddreg [dreg:$0x11];
	[sflag:s18] =	ssyncadd.s32 $0xFFFFE000  }
0x46: {  	[hbm4b:s10+s3] =	stream.linear.scatter [tilespmem:s24], [sflag:$0x11], $0x2000, $0x38;
	[tilespmem:$0x12600] =	vst v63  }
0x47: {  	_ =	swait.ge [sflag:s18], $0x2000  }
0x48: {  	[sflag:s18] =	ssyncset.done $0x0  }
0x49: {  	s14 =	rddreg [dreg:$0x12];
	[sflag:s18] =	ssyncadd.s32 $0xFFFFE000  }
0x4a: {  	[tilespmem:s24], [sflag:$0x11] =	stream.linear.gather [spmem:s14], $0x2000, $0x38;
	[tilespmem:$0x12600] =	vst v63  }
0x4b: {  	_ =	swait.ge [sflag:s18], $0x2000  }
0x4c: {  	[sflag:s18] =	ssyncset.done $0x0  }
0x4d: {  	s16 =	rddreg [dreg:$0x13];
	[sflag:s18] =	ssyncadd.s32 $0xFFFFE000  }
0x4e: {  	[hbm4b:s16+s3] =	stream.linear.scatter [tilespmem:s24], [sflag:$0x11], $0x2000, $0x38;
	[tilespmem:$0x12600] =	vst v63  }
0x4f: {  	_ =	swait.ge [sflag:s18], $0x2000  }
0x50: {  	[sflag:s18] =	ssyncset.done $0x0  }
0x51: {  	s19 =	rddreg [dreg:$0x14];
	[sflag:s18] =	ssyncadd.s32 $0xFFFFE000  }
0x52: {  	[tilespmem:s24], [sflag:$0x11] =	stream.linear.gather [spmem:s19], $0x1E00, $0x38;
	[tilespmem:$0x12600] =	vst v63  }
0x53: {  	_ =	swait.ge [sflag:s18], $0x1E00  }
0x54: {  	[sflag:s18] =	ssyncset.done $0x0  }
0x55: {  	s23 =	rddreg [dreg:$0x15];
	[sflag:s18] =	ssyncadd.s32 $0xFFFFE200  }
0x56: {  	[hbm4b:s23+s3] =	stream.linear.scatter [tilespmem:s24], [sflag:$0x11], $0x1E00, $0x38;
	[tilespmem:$0x12600] =	vst v63  }
0x57: {  	_ =	swait.ge [sflag:s18], $0x1E00  }
0x58: {  	s5 =	rddreg [dreg:$0x18]  }
0x59: {  	s30 =	rddreg [dreg:$0x16];
	s5 =	sadd.s32 $0x1, s5  }
0x5a: {  	p0 =	sne.s32 s5, s30  }
.Ltmp1:
0x5b: {  	_ = 	snop;
	(pc) =	sbr.rel @!p0 .LBB2_5-.Ltmp1, $3  }
0x5c: {  	_ =	sdelay $0x1  }
0x5d: {  	s14 =	simm.s32 $0xDE00;
	[sflag:s18] =	ssyncset.done $0x0  }
0x5e: {  	s16 =	simm.s32 $0x11F80;
	s23 =	simm.s32 $0x12380;
	[sflag:s18] =	ssyncadd.s32 $0xFFFFE200  }
.LBB2_1:
0x5f: {  	[dreg:$0x18] =	wrdreg s5  }
0x60: {  	s0 =	rddreg [dreg:$0x4]  }
0x61: {  	s9 =	sshrl.u32 s9, $0x3;
	s7 =	rddreg [dreg:$0x6]  }
0x62: {  	[spmem:s9], [sflag:s7] =	dma.local [hbm:s0], $0x13C0  }
0x63: {  	_ =	swait.ge [sflag:s18], $0x13C0  }
0x64: {  	[sflag:s18] =	ssyncset.done $0x0  }
0x65: {  	[sflag:s18] =	ssyncadd.s32 $0xFFFFEC40  }
0x66: {  	[bflag:$0x0] =	sbarrier.arrive $0xFFFF  }
0x67: {  	s7 =	simm.s32 $0x12200;
	s10 =	rddreg [dreg:$0x5]  }
0x68: {  	[tilespmem:s7], [sflag:$0x5] =	stream.linear.gather [hbm4b:s10+s3], $0x80, $0x38;
	[tilespmem:$0x12600] =	vst v63  }
0x69: {  	s19 =	simm.s32 $0x11E00;
	s18 =	rddreg [dreg:$0x7]  }
0x6a: {  	[tilespmem:s19], [sflag:$0x5] =	stream.linear.gather [hbm4b:s18+s3], $0x80, $0x38;
	[tilespmem:$0x12600] =	vst v63  }
0x6b: {  	s9 =	simm.s32 $0x12280;
	s30 =	rddreg [dreg:$0x8]  }
0x6c: {  	[tilespmem:s9], [sflag:$0x6] =	stream.linear.gather [hbm4b:s30+s3], $0x80, $0x38;
	[tilespmem:$0x12600] =	vst v63  }
0x6d: {  	s5 =	rddreg [dreg:$0x9];
	s10 =	simm.s32 $0x11E80  }
0x6e: {  	[tilespmem:s10], [sflag:$0x6] =	stream.linear.gather [hbm4b:s5+s3], $0x80, $0x38;
	[tilespmem:$0x12600] =	vst v63  }
0x6f: {  	s19 =	rddreg [dreg:$0xa];
	s18 =	simm.s32 $0x12300  }
0x70: {  	[tilespmem:s18], [sflag:$0x7] =	stream.linear.gather [hbm4b:s19+s3], $0x80, $0x38;
	[tilespmem:$0x12600] =	vst v63  }
0x71: {  	s30 =	rddreg [dreg:$0xb];
	s19 =	simm.s32 $0x11F00  }
0x72: {  	[tilespmem:s19], [sflag:$0x7] =	stream.linear.gather [hbm4b:s30+s3], $0x80, $0x38;
	[tilespmem:$0x12600] =	vst v63  }
0x73: {  	s5 =	rddreg [dreg:$0xc]  }
0x74: {  	[tilespmem:s23], [sflag:$0x8] =	stream.linear.gather [hbm4b:s5+s3], $0x80, $0x38;
	[tilespmem:$0x12600] =	vst v63  }
0x75: {  	s10 =	rddreg [dreg:$0x17];
	s19 =	simm.s32 $0x5  }
0x76: {  	[tilespmem:s16], [sflag:$0x8] =	stream.linear.gather [hbm4b:s10+s3], $0x80, $0x38;
	[tilespmem:$0x12600] =	vst v63  }
0x77: {  	_ =	swait.ge [sflag:s19], $0x80  }
0x78: {  	[sflag:s19] =	ssyncset.done $0x0  }
0x79: {  	[sflag:s19] =	ssyncadd.s32 $0xFFFFFF80  }
0x7a: {  	_ =	swait.ge [sflag:s19], $0x80  }
0x7b: {  	[sflag:s19] =	ssyncset.done $0x0  }
0x7c: {  	s30 =	simm.s32 $0x6;
	[sflag:s19] =	ssyncadd.s32 $0xFFFFFF80  }
0x7d: {  	[tilespmem:s24], [sflag:$0x1] =	stream.indirect.gather [hbm4b:s4+s11], $0x40, s7, s11, $0xb8;
	[tilespmem:$0x12600] =	vst v63  }
0x7e: {  	_ =	swait.ge [sflag:s30], $0x80  }
0x7f: {  	[sflag:s30] =	ssyncset.done $0x0  }
0x80: {  	[sflag:s30] =	ssyncadd.s32 $0xFFFFFF80  }
0x81: {  	_ =	swait.ge [sflag:s30], $0x80  }
0x82: {  	[sflag:s30] =	ssyncset.done $0x0  }
0x83: {  	[sflag:s30] =	ssyncadd.s32 $0xFFFFFF80  }
0x84: {  	[tilespmem:s26], [sflag:$0x2] =	stream.indirect.gather [hbm4b:s4+s11], $0x40, s9, s11, $0xb8;
	[tilespmem:$0x12600] =	vst v63  }
0x85: {  	_ =	swait.ge [sflag:s15], $0x80  }
0x86: {  	[sflag:s15] =	ssyncset.done $0x0  }
0x87: {  	[sflag:s15] =	ssyncadd.s32 $0xFFFFFF80  }
0x88: {  	_ =	swait.ge [sflag:s15], $0x80  }
0x89: {  	[sflag:s15] =	ssyncset.done $0x0  }
0x8a: {  	s9 =	simm.s32 $0x0;
	[sflag:s15] =	ssyncadd.s32 $0xFFFFFF80  }
0x8b: {  	[tilespmem:s14], [sflag:$0x3] =	stream.indirect.gather [hbm4b:s4+s11], $0x40, s18, s11, $0xb8;
	[tilespmem:$0x12600] =	vst v63  }
.LBB2_2:
0x8c: {  	_ =	swait.ge [sflag:s17], $0x2000  }
0x8d: {  	[sflag:s17] =	ssyncset.done $0x0  }
0x8e: {  	s0 =	simm.s32 $0x11E00;
	s18 =	sadd.s32 s9, s21;
	[sflag:s17] =	ssyncadd.s32 $0xFFFFE000  }
0x8f: {  	[spmem:s2] =	stream.indirect.scatter.add.bf16 [tilespmem:s24], [sflag:$0xD], $0x40, s0, s11, $0xb8;
	[tilespmem:$0x12600] =	vst v63  }
0x90: {  	s7 =	simm.s32 $0x12400;
	p0 =	seq.s32 s9, $0x0;
	s19 =	sadd.s32 $0x40, s18  }
0x91: {  	[tilespmem:s7], [sflag:$0x9] =	stream.linear.gather [hbm4b:s19+s3], $0x80, $0x38;
	[tilespmem:$0x12600] =	vst v63  }
0x92: {  	s10 =	simm.s32 $0x12000;
	s26 =	sadd.s32 $0xA040, s18;
	s19 =	simm.s32 @!p0 $0x10  }
0x93: {  	[tilespmem:s10], [sflag:$0x9] =	stream.linear.gather [hbm4b:s26+s3], $0x80, $0x38;
	[tilespmem:$0x12600] =	vst v63  }
0x94: {  	_ =	swait.ge @!p0 [sflag:s19], $0x2000  }
0x95: {  	[sflag:s19] =	ssyncset.done @!p0 $0x0  }
0x96: {  	[sflag:s19] =	ssyncadd.s32 @!p0 $0xFFFFE000  }
0x97: {  	_ =	swait.ge [sflag:s20], $0x80  }
0x98: {  	[sflag:s20] =	ssyncset.done $0x0  }
0x99: {  	[sflag:s20] =	ssyncadd.s32 $0xFFFFFF80  }
0x9a: {  	_ =	swait.ge [sflag:s20], $0x80  }
0x9b: {  	[sflag:s20] =	ssyncset.done $0x0  }
0x9c: {  	[sflag:s20] =	ssyncadd.s32 $0xFFFFFF80  }
0x9d: {  	[tilespmem:s22], [sflag:$0x4] =	stream.indirect.gather [hbm4b:s4+s11], $0x40, s23, s11, $0xb8;
	[tilespmem:$0x12600] =	vst v63  }
0x9e: {  	_ =	swait.ge [sflag:s29], $0x2000  }
0x9f: {  	[sflag:s29] =	ssyncset.done $0x0  }
0xa0: {  	s30 =	simm.s32 $0x11E80;
	[sflag:s29] =	ssyncadd.s32 $0xFFFFE000  }
0xa1: {  	[spmem:s2] =	stream.indirect.scatter.add.bf16 [tilespmem:s31], [sflag:$0xE], $0x40, s30, s11, $0xb8;
	[tilespmem:$0x12600] =	vst v63  }
0xa2: {  	s0 =	sadd.s32 $0x50, s18;
	s23 =	simm.s32 $0x12480  }
0xa3: {  	[tilespmem:s23], [sflag:$0xA] =	stream.linear.gather [hbm4b:s0+s3], $0x80, $0x38;
	[tilespmem:$0x12600] =	vst v63  }
0xa4: {  	s5 =	sadd.s32 $0xA050, s18;
	s26 =	simm.s32 $0xD  }
0xa5: {  	[tilespmem:s12], [sflag:$0xA] =	stream.linear.gather [hbm4b:s5+s3], $0x80, $0x38;
	[tilespmem:$0x12600] =	vst v63  }
0xa6: {  	_ =	swait.ge [sflag:s26], $0x2000  }
0xa7: {  	[sflag:s26] =	ssyncset.done $0x0  }
0xa8: {  	[sflag:s26] =	ssyncadd.s32 $0xFFFFE000  }
0xa9: {  	_ =	swait.ge [sflag:s25], $0x80  }
0xaa: {  	[sflag:s25] =	ssyncset.done $0x0  }
0xab: {  	[sflag:s25] =	ssyncadd.s32 $0xFFFFFF80  }
0xac: {  	_ =	swait.ge [sflag:s25], $0x80  }
0xad: {  	[sflag:s25] =	ssyncset.done $0x0  }
0xae: {  	s30 =	simm.s32 $0x3;
	[sflag:s25] =	ssyncadd.s32 $0xFFFFFF80  }
0xaf: {  	[tilespmem:s24], [sflag:$0x1] =	stream.indirect.gather [hbm4b:s4+s11], $0x40, s7, s11, $0xb8;
	[tilespmem:$0x12600] =	vst v63  }
0xb0: {  	_ =	swait.ge [sflag:s30], $0x2000  }
0xb1: {  	[sflag:s30] =	ssyncset.done $0x0  }
0xb2: {  	s5 =	simm.s32 $0x11F00;
	[sflag:s30] =	ssyncadd.s32 $0xFFFFE000  }
0xb3: {  	[spmem:s2] =	stream.indirect.scatter.add.bf16 [tilespmem:s14], [sflag:$0xF], $0x40, s5, s11, $0xb8;
	[tilespmem:$0x12600] =	vst v63  }
0xb4: {  	s0 =	simm.s32 $0x12500;
	s7 =	sadd.s32 $0x60, s18  }
0xb5: {  	[tilespmem:s0], [sflag:$0xB] =	stream.linear.gather [hbm4b:s7+s3], $0x80, $0x38;
	[tilespmem:$0x12600] =	vst v63  }
0xb6: {  	s26 =	sadd.s32 $0xA060, s18;
	s30 =	simm.s32 $0x12100;
	s5 =	simm.s32 $0xE  }
0xb7: {  	[tilespmem:s30], [sflag:$0xB] =	stream.linear.gather [hbm4b:s26+s3], $0x80, $0x38;
	[tilespmem:$0x12600] =	vst v63  }
0xb8: {  	_ =	swait.ge [sflag:s5], $0x2000  }
0xb9: {  	[sflag:s5] =	ssyncset.done $0x0  }
0xba: {  	[sflag:s5] =	ssyncadd.s32 $0xFFFFE000  }
0xbb: {  	_ =	swait.ge [sflag:s13], $0x80  }
0xbc: {  	[sflag:s13] =	ssyncset.done $0x0  }
0xbd: {  	[sflag:s13] =	ssyncadd.s32 $0xFFFFFF80  }
0xbe: {  	_ =	swait.ge [sflag:s13], $0x80  }
0xbf: {  	[sflag:s13] =	ssyncset.done $0x0  }
0xc0: {  	[sflag:s13] =	ssyncadd.s32 $0xFFFFFF80  }
0xc1: {  	[tilespmem:s31], [sflag:$0x2] =	stream.indirect.gather [hbm4b:s4+s11], $0x40, s23, s11, $0xb8;
	[tilespmem:$0x12600] =	vst v63  }
0xc2: {  	_ =	swait.ge [sflag:s28], $0x2000  }
0xc3: {  	[sflag:s28] =	ssyncset.done $0x0  }
0xc4: {  	[sflag:s28] =	ssyncadd.s32 $0xFFFFE000  }
0xc5: {  	[spmem:s2] =	stream.indirect.scatter.add.bf16 [tilespmem:s22], [sflag:$0x10], $0x40, s16, s11, $0xb8;
	[tilespmem:$0x12600] =	vst v63  }
0xc6: {  	s26 =	simm.s32 $0x12580;
	s16 =	sadd.s32 $0x70, s18  }
0xc7: {  	[tilespmem:s26], [sflag:$0xC] =	stream.linear.gather [hbm4b:s16+s3], $0x80, $0x38;
	[tilespmem:$0x12600] =	vst v63  }
0xc8: {  	s5 =	simm.s32 $0x12180;
	s23 =	sadd.s32 $0xA070, s18  }
0xc9: {  	[tilespmem:s5], [sflag:$0xC] =	stream.linear.gather [hbm4b:s23+s3], $0x80, $0x38;
	[tilespmem:$0x12600] =	vst v63  }
0xca: {  	_ =	swait.ge [sflag:s1], $0x2000  }
0xcb: {  	[sflag:s1] =	ssyncset.done $0x0  }
0xcc: {  	[sflag:s1] =	ssyncadd.s32 $0xFFFFE000  }
0xcd: {  	_ =	swait.ge [sflag:s6], $0x80  }
0xce: {  	[sflag:s6] =	ssyncset.done $0x0  }
0xcf: {  	[sflag:s6] =	ssyncadd.s32 $0xFFFFFF80  }
0xd0: {  	_ =	swait.ge [sflag:s6], $0x80  }
0xd1: {  	[sflag:s6] =	ssyncset.done $0x0  }
0xd2: {  	[sflag:s6] =	ssyncadd.s32 $0xFFFFFF80  }
0xd3: {  	[tilespmem:s14], [sflag:$0x3] =	stream.indirect.gather [hbm4b:s4+s11], $0x40, s0, s11, $0xb8;
	[tilespmem:$0x12600] =	vst v63  }
0xd4: {  	_ =	swait.ge [sflag:s17], $0x2000  }
0xd5: {  	p0 =	seq.s32 s9, $0x480;
	[sflag:s17] =	ssyncset.done $0x0  }
0xd6: {  	s19 =	sadd.s32 @!p0 s9, s21;
	[sflag:s17] =	ssyncadd.s32 $0xFFFFE000  }
0xd7: {  	[spmem:s2] =	stream.indirect.scatter.add.bf16 [tilespmem:s24], [sflag:$0xD], $0x40, s10, s11, $0xb8;
	[tilespmem:$0x12600] =	vst v63  }
0xd8: {  	s7 =	simm.s32 @!p0 $0x12200;
	s23 =	sadd.s32 @!p0 $0x80, s19;
	s24 =	simm.s32 @!p0 $0x0  }
0xd9: {  	[tilespmem:s7], [sflag:$0x5] =	stream.linear.gather @!p0 [hbm4b:s23+s24], $0x80, $0x38;
	[tilespmem:$0x12600] =	vst v63  }
0xda: {  	s30 =	simm.s32 @!p0 $0x11E00;
	s23 =	sadd.s32 @!p0 $0xA080, s19  }
0xdb: {  	[tilespmem:s30], [sflag:$0x5] =	stream.linear.gather @!p0 [hbm4b:s23+s24], $0x80, $0x38;
	[tilespmem:$0x12600] =	vst v63  }
0xdc: {  	s30 =	simm.s32 $0x10  }
0xdd: {  	_ =	swait.ge [sflag:s30], $0x2000  }
0xde: {  	[sflag:s30] =	ssyncset.done $0x0  }
0xdf: {  	[sflag:s30] =	ssyncadd.s32 $0xFFFFE000  }
0xe0: {  	_ =	swait.ge [sflag:s8], $0x80  }
0xe1: {  	[sflag:s8] =	ssyncset.done $0x0  }
0xe2: {  	[sflag:s8] =	ssyncadd.s32 $0xFFFFFF80  }
0xe3: {  	_ =	swait.ge [sflag:s8], $0x80  }
0xe4: {  	[sflag:s8] =	ssyncset.done $0x0  }
0xe5: {  	[sflag:s8] =	ssyncadd.s32 $0xFFFFFF80  }
0xe6: {  	[tilespmem:s22], [sflag:$0x4] =	stream.indirect.gather [hbm4b:s4+s11], $0x40, s26, s11, $0xb8;
	[tilespmem:$0x12600] =	vst v63  }
0xe7: {  	_ =	swait.ge [sflag:s29], $0x2000  }
0xe8: {  	[sflag:s29] =	ssyncset.done $0x0  }
0xe9: {  	s23 =	simm.s32 @p0 $0x3;
	[sflag:s29] =	ssyncadd.s32 $0xFFFFE000  }
0xea: {  	[spmem:s2] =	stream.indirect.scatter.add.bf16 [tilespmem:s31], [sflag:$0xE], $0x40, s12, s11, $0xb8;
	[tilespmem:$0x12600] =	vst v63  }
0xeb: {  	_ =	swait.ge @p0 [sflag:s23], $0x2000  }
0xec: {  	s0 =	simm.s32 @p0 $0xDE00;
	[sflag:s23] =	ssyncset.done @p0 $0x0  }
0xed: {  	s30 =	simm.s32 @p0 $0x12100;
	[sflag:s23] =	ssyncadd.s32 @p0 $0xFFFFE000;
	s23 =	simm.s32 @p0 $0x80  }
0xee: {  	[spmem:s2] =	stream.indirect.scatter.add.bf16 @p0 [tilespmem:s0], [sflag:$0xF], $0x40, s30, s23, $0xb8;
	[tilespmem:$0x12600] =	vst v63  }
0xef: {  	s0 =	sadd.s32 @!p0 $0x90, s19;
	s23 =	simm.s32 @!p0 $0x12280  }
0xf0: {  	[tilespmem:s23], [sflag:$0x6] =	stream.linear.gather @!p0 [hbm4b:s0+s24], $0x80, $0x38;
	[tilespmem:$0x12600] =	vst v63  }
0xf1: {  	s30 =	simm.s32 @!p0 $0x11E80;
	s0 =	sadd.s32 @!p0 $0xA090, s19  }
0xf2: {  	[tilespmem:s30], [sflag:$0x6] =	stream.linear.gather @!p0 [hbm4b:s0+s24], $0x80, $0x38;
	[tilespmem:$0x12600] =	vst v63  }
0xf3: {  	s0 =	simm.s32 @!p0 $0xD  }
0xf4: {  	_ =	swait.ge @!p0 [sflag:s0], $0x2000  }
0xf5: {  	[sflag:s0] =	ssyncset.done @!p0 $0x0  }
0xf6: {  	[sflag:s0] =	ssyncadd.s32 @!p0 $0xFFFFE000;
	s0 =	simm.s32 @!p0 $0x5  }
0xf7: {  	_ =	swait.ge @!p0 [sflag:s0], $0x80  }
0xf8: {  	[sflag:s0] =	ssyncset.done @!p0 $0x0  }
0xf9: {  	[sflag:s0] =	ssyncadd.s32 @!p0 $0xFFFFFF80  }
0xfa: {  	_ =	swait.ge @!p0 [sflag:s0], $0x80  }
0xfb: {  	[sflag:s0] =	ssyncset.done @!p0 $0x0  }
0xfc: {  	s30 =	simm.s32 @!p0 $0x9E00;
	[sflag:s0] =	ssyncadd.s32 @!p0 $0xFFFFFF80;
	s0 =	simm.s32 @!p0 $0x80  }
0xfd: {  	[tilespmem:s30], [sflag:$0x1] =	stream.indirect.gather @!p0 [hbm4b:s4+s0], $0x40, s7, s0, $0xb8;
	[tilespmem:$0x12600] =	vst v63  }
0xfe: {  	s7 =	simm.s32 @!p0 $0x3  }
0xff: {  	_ =	swait.ge @!p0 [sflag:s7], $0x2000  }
0x100: {  	[sflag:s7] =	ssyncset.done @!p0 $0x0  }
0x101: {  	s30 =	simm.s32 @!p0 $0xDE00;
	[sflag:s7] =	ssyncadd.s32 @!p0 $0xFFFFE000;
	s7 =	simm.s32 @!p0 $0x12100  }
0x102: {  	[spmem:s2] =	stream.indirect.scatter.add.bf16 @!p0 [tilespmem:s30], [sflag:$0xF], $0x40, s7, s0, $0xb8;
	[tilespmem:$0x12600] =	vst v63  }
0x103: {  	s7 =	sadd.s32 @!p0 $0xA0, s19;
	s30 =	simm.s32 @!p0 $0x12300  }
0x104: {  	[tilespmem:s30], [sflag:$0x7] =	stream.linear.gather @!p0 [hbm4b:s7+s24], $0x80, $0x38;
	[tilespmem:$0x12600] =	vst v63  }
0x105: {  	s7 =	sadd.s32 @!p0 $0xA0A0, s19;
	s19 =	simm.s32 @!p0 $0x11F00  }
0x106: {  	[tilespmem:s19], [sflag:$0x7] =	stream.linear.gather @!p0 [hbm4b:s7+s24], $0x80, $0x38;
	[tilespmem:$0x12600] =	vst v63  }
0x107: {  	s7 =	simm.s32 @!p0 $0xE  }
0x108: {  	_ =	swait.ge @!p0 [sflag:s7], $0x2000  }
0x109: {  	[sflag:s7] =	ssyncset.done @!p0 $0x0  }
0x10a: {  	[sflag:s7] =	ssyncadd.s32 @!p0 $0xFFFFE000;
	s7 =	simm.s32 @!p0 $0x6  }
0x10b: {  	_ =	swait.ge @!p0 [sflag:s7], $0x80  }
0x10c: {  	[sflag:s7] =	ssyncset.done @!p0 $0x0  }
0x10d: {  	[sflag:s7] =	ssyncadd.s32 @!p0 $0xFFFFFF80  }
0x10e: {  	_ =	swait.ge @!p0 [sflag:s7], $0x80  }
0x10f: {  	[sflag:s7] =	ssyncset.done @!p0 $0x0  }
0x110: {  	[sflag:s7] =	ssyncadd.s32 @!p0 $0xFFFFFF80;
	s7 =	simm.s32 @!p0 $0xBE00  }
0x111: {  	[tilespmem:s7], [sflag:$0x2] =	stream.indirect.gather @!p0 [hbm4b:s4+s0], $0x40, s23, s0, $0xb8;
	[tilespmem:$0x12600] =	vst v63  }
.Ltmp2:
0x112: {  	_ = 	snop;
	(pc) =	sbr.rel @p0 .LBB2_4-.Ltmp2, $4  }
0x113: {  	_ =	swait.ge [sflag:s28], $0x2000  }
0x114: {  	s16 =	simm.s32 $0x12380;
	s14 =	simm.s32 $0x11F80;
	[sflag:s28] =	ssyncset.done $0x0  }
0x115: {  	s10 =	simm.s32 $0xDE00;
	s26 =	simm.s32 $0xBE00;
	[sflag:s28] =	ssyncadd.s32 $0xFFFFE000  }
0x116: {  	[spmem:s2] =	stream.indirect.scatter.add.bf16 [tilespmem:s22], [sflag:$0x10], $0x40, s5, s11, $0xb8;
	[tilespmem:$0x12600] =	vst v63  }
0x117: {  	s0 =	sadd.s32 $0xB0, s18  }
0x118: {  	[tilespmem:s16], [sflag:$0x8] =	stream.linear.gather [hbm4b:s0+s3], $0x80, $0x38;
	[tilespmem:$0x12600] =	vst v63  }
0x119: {  	s26 =	sadd.s32 $0xA0B0, s18  }
0x11a: {  	[tilespmem:s14], [sflag:$0x8] =	stream.linear.gather [hbm4b:s26+s3], $0x80, $0x38;
	[tilespmem:$0x12600] =	vst v63  }
0x11b: {  	_ =	swait.ge [sflag:s1], $0x2000  }
0x11c: {  	[sflag:s1] =	ssyncset.done $0x0  }
0x11d: {  	[sflag:s1] =	ssyncadd.s32 $0xFFFFE000  }
0x11e: {  	_ =	swait.ge [sflag:s15], $0x80  }
0x11f: {  	[sflag:s15] =	ssyncset.done $0x0  }
.Ltmp3:
0x120: {  	[sflag:s15] =	ssyncadd.s32 $0xFFFFFF80;
	(pc) =	sbr.rel .LBB2_2-.Ltmp3, $4  }
0x121: {  	s30 =	simm.s32 $0x12300;
	s9 =	sadd.s32 $0x80, s9;
	_ =	swait.ge [sflag:s15], $0x80  }
0x122: {  	s23 =	simm.s32 $0x12380;
	s24 =	simm.s32 $0x9E00;
	[sflag:s15] =	ssyncset.done $0x0  }
0x123: {  	s16 =	simm.s32 $0x11F80;
	s14 =	simm.s32 $0xDE00;
	[sflag:s15] =	ssyncadd.s32 $0xFFFFFF80  }
0x124: {  	[tilespmem:s10], [sflag:$0x3] =	stream.indirect.gather [hbm4b:s4+s11], $0x40, s30, s11, $0xb8;
	[tilespmem:$0x12600] =	vst v63  }
.LBB2_5:
0x125: {  	_ =	sfence.sel $0x180000  }
0x126: {  	[bflag:$0x0] =	sbarrier.arrive $0xFFFF  }
0x127: {  	_ =	strace $0x9000004A  }
0x128: {  	s0 =	stileid.u32;
	[bflag:$0x2] =	sbarrier.arrive $0xFFFF  }
0x129: {  	p0 =	sne.s32 s0, $0x0;
	s0 =	rddreg [dreg:$0x2]  }
0x12a: {  	s0 =	sadd.s32 @!p0 $0x100000, s0  }
0x12b: {  	[sflag:s0] =	ssyncadd.tile.s32 @!p0 $0x1;
	_ =	shalt  }
.Lfunc_end2:
_tile_overlayer_lowered:
.L_overlay_start_2:
0x12c: {  	(tag) =	ssettag $0x2  }
0x12d: {  	s0 =	rddreg [dreg:$0x0];
	s2 =	stileid.u32  }
0x12e: {  	s1 =	rddreg [dreg:$0x1];
	p0 =	sne.s32 s2, $0x0  }
0x12f: {  	s3 =	rddreg [dreg:$0x2];
	[bflag:$0x3] =	sbarrier.arrive $0xFFFF;
	s2 =	simm.s32 @!p0 $0x1C11  }
0x130: {  	[timem:s3], [sflag:s2] =	dma.local @!p0 [hbm:s0], s1  }
0x131: {  	s0 =	simm.s32 @!p0 $0x11  }
0x132: {  	_ =	swait.ge @!p0 [sflag:s0], s1  }
0x133: {  	s1 =	ssub.s32 @!p0 $0x0, s1;
	[sflag:s0] =	ssyncset.done @!p0 $0x0  }
0x134: {  	[sflag:s0] =	ssyncadd.s32 @!p0 s1  }
0x135: {  	[bflag:$0x3] =	sbarrier.arrive $0xFFFF  }
0x136: {  	_ =	shalt  }

</sc_bundles>
